<compile_context>
chip_gen: v7x
topology: tpu7x:2x2x1
jax: 0.10.2.dev20260603
libtpu: 0.0.44.dev20260713+nightly
codegen_flags: <defaults>
</compile_context>

<pallas_src>
import jax
import jax.numpy as jnp
from jax import lax
from jax.experimental import pallas as pl
from jax.experimental.pallas import tpu as pltpu
from jax.experimental.pallas import tpu_sc as plsc

NUM_ROWS = 100000
DIM = 128

NC = 2
NS = 16
NW = NC * NS

B_ALL = 4096 * 200
B_TOTAL = (B_ALL * 9) // 10
assert B_TOTAL % (32 * 128) == 0
B_PER_W = B_TOTAL // NW
CHUNK = 128
N_CHUNKS = B_PER_W // CHUNK
NBUF = 5
LOOK = 3
N_GROUPS = N_CHUNKS // NBUF
assert N_CHUNKS % NBUF == 0 and LOOK <= NBUF - 2


def _body(ids_hbm, w_hbm, out_hbm, idx2, rows, s0, s1, s2, s3, s4):
    sems = (s0, s1, s2, s3, s4)
    wid = lax.axis_index("s") * NC + lax.axis_index("c")
    base = wid * B_PER_W

    pltpu.sync_copy(ids_hbm.at[wid], idx2)

    def fire_gather(c, b):
        pltpu.async_copy(w_hbm.at[idx2.at[c]], rows.at[b], sems[b])

    def wait_gather(b):
        pltpu.make_async_copy(w_hbm.at[idx2.at[0]], rows.at[b], sems[b]).wait()

    def write_out(g, b):
        pltpu.sync_copy(rows.at[b], out_hbm.at[pl.ds(base + g * CHUNK, CHUNK)])

    def step(g, b):
        wait_gather(b)
        fire_gather(g + LOOK, (b + LOOK) % NBUF)
        write_out(g, b)

    for b in range(LOOK):
        fire_gather(b, b)

    def outer(go, carry):
        for b in range(NBUF):
            step(go * NBUF + b, b)
        return carry

    lax.fori_loop(0, N_GROUPS - 1, outer, 0)
    for b in range(NBUF - LOOK):
        step((N_GROUPS - 1) * NBUF + b, b)
    for b in range(NBUF - LOOK, NBUF):
        g = (N_GROUPS - 1) * NBUF + b
        wait_gather(b)
        write_out(g, b)


@jax.jit
def _run(ids3, weight):
    f = pl.kernel(
        _body,
        out_type=jax.ShapeDtypeStruct((B_TOTAL, DIM), jnp.float32),
        mesh=plsc.VectorSubcoreMesh(core_axis_name="c", subcore_axis_name="s"),
        scratch_types=[
            pltpu.VMEM((N_CHUNKS, CHUNK), jnp.int32),
            pltpu.VMEM((NBUF, CHUNK, DIM), jnp.float32),
        ] + [pltpu.SemaphoreType.DMA] * NBUF,
    )
    return f(ids3, weight)


def kernel(ids, weight):
    flat = ids.reshape(-1).astype(jnp.int32)
    ids3 = flat[:B_TOTAL].reshape(NW, N_CHUNKS, CHUNK)
    sc_out = _run(ids3, weight)
    tc_out = jnp.take(weight, flat[B_TOTAL:], axis=0)
    out = jnp.concatenate([sc_out, tc_out], axis=0)
    return out.reshape(ids.shape[0], ids.shape[1], DIM)

# --- scband reference (transcript-rebuilt; emitter-appended) ---
"""Pipeline reference for scband-meta-embedding-layer-22368189678103 (READ-ONLY COPY).

The authoritative reference and input builder live on the scoring server;
editing this copy changes nothing except your own understanding.
"""

import jax, jax.numpy as jnp
import numpy as np

NUM_EMBEDDINGS = 100000
EMBEDDING_DIM = 128

def setup_inputs(seed: int = 0) -> dict:
    key = jax.random.key(seed)
    k_ids, k_w = jax.random.split(key)
    ids = jax.random.randint(k_ids, (4096, 200), 0, NUM_EMBEDDINGS, dtype=jnp.int64 if jax.config.jax_enable_x64 else jnp.int32)
    # xavier_uniform init for the embedding table
    fan_in, fan_out = NUM_EMBEDDINGS, EMBEDDING_DIM
    limit = float(np.sqrt(6.0 / (fan_in + fan_out)))
    weight = jax.random.uniform(k_w, (NUM_EMBEDDINGS, EMBEDDING_DIM), dtype=jnp.float32, minval=-limit, maxval=limit)
    return {"ids": ids, "weight": weight}

def reference(ids, weight):
    # Faithful translation of MetaEmbeddingLayer.forward: F.embedding(ids, w)
    return jnp.take(weight, ids, axis=0)

if __name__ == "__main__":
    import jax
    _d = setup_inputs()
    print(jax.jit(kernel)(*tuple(_d.values())))

</pallas_src>

<mosaic_0001>
#map = affine_map<(d0, d1) -> (0, 0, 0)>
#map1 = affine_map<(d0, d1) -> (0, 0)>
module attributes {stable_mosaic.version = 14 : i64} {
  func.func @_body(%arg0: i32, %arg1: i32, %arg2: memref<32x180x128xi32, #tpu.memory_space<hbm>>, %arg3: memref<100000x128xf32, #tpu.memory_space<hbm>>, %arg4: memref<737280x128xf32, #tpu.memory_space<hbm>>, %arg5: memref<180x128xi32, #tpu.memory_space<vmem>>, %arg6: memref<5x128x128xf32, #tpu.memory_space<vmem>>, %arg7: memref<!tpu.dma_semaphore, #tpu.memory_space<semaphore_mem>>, %arg8: memref<!tpu.dma_semaphore, #tpu.memory_space<semaphore_mem>>, %arg9: memref<!tpu.dma_semaphore, #tpu.memory_space<semaphore_mem>>, %arg10: memref<!tpu.dma_semaphore, #tpu.memory_space<semaphore_mem>>, %arg11: memref<!tpu.dma_semaphore, #tpu.memory_space<semaphore_mem>>) attributes {dimension_semantics = [#tpu.dimension_semantics<core_parallel>, #tpu.dimension_semantics<subcore_parallel>], iteration_bounds = array<i64: 2, 16>, scalar_prefetch = 0 : i64, scratch_operands = 7 : i64, tpu.core_type = #tpu.core_type<sc_vector_subcore>, window_params = [{transform_indices = #map}, {transform_indices = #map1}, {transform_indices = #map1}]} {
    %mul3A = arith.constant 2 : i32
    %mul3A_0 = arith.muli %arg1, %mul3A : i32
    %add3A = arith.addi %mul3A_0, %arg0 : i32
    %mul3A_1 = arith.constant 23040 : i32
    %mul3A_2 = arith.muli %add3A, %mul3A_1 : i32
    "tpu.region"() ({
      %run_scoped3A_140 = tpu.sem_alloc : memref<!tpu.dma_semaphore, #tpu.memory_space<semaphore_mem>>
      %dma_start3A_141 = arith.constant 0 : i32
      %dma_start3A_142 = arith.constant 0 : i32
      %dma_start3A_143 = tpu.memref_slice %arg2[%add3A, %dma_start3A_141, %dma_start3A_142] : memref<32x180x128xi32, #tpu.memory_space<hbm>> -> memref<1x180x128xi32, #tpu.memory_space<hbm>>
      %dma_start3A_144 = tpu.memref_squeeze %dma_start3A_143 : memref<1x180x128xi32, #tpu.memory_space<hbm>> -> memref<180x128xi32, #tpu.memory_space<hbm>>
      %dma_start3A_145 = arith.constant 0 : i32
      %dma_start3A_146 = arith.constant 0 : i32
      %dma_start3A_147 = tpu.memref_slice %arg2[%add3A, %dma_start3A_145, %dma_start3A_146] : memref<32x180x128xi32, #tpu.memory_space<hbm>> -> memref<1x180x128xi32, #tpu.memory_space<hbm>>
      %dma_start3A_148 = tpu.memref_squeeze %dma_start3A_147 : memref<1x180x128xi32, #tpu.memory_space<hbm>> -> memref<180x128xi32, #tpu.memory_space<hbm>>
      tpu.enqueue_dma source(%dma_start3A_148 : memref<180x128xi32, #tpu.memory_space<hbm>>) target(%arg5 : memref<180x128xi32, #tpu.memory_space<vmem>>) target_semaphore(%run_scoped3A_140 : memref<!tpu.dma_semaphore, #tpu.memory_space<semaphore_mem>>)
      %dma_wait3A_149 = arith.constant 0 : i32
      %dma_wait3A_150 = arith.constant 0 : i32
      %dma_wait3A_151 = tpu.memref_slice %arg2[%add3A, %dma_wait3A_149, %dma_wait3A_150] : memref<32x180x128xi32, #tpu.memory_space<hbm>> -> memref<1x180x128xi32, #tpu.memory_space<hbm>>
      %dma_wait3A_152 = tpu.memref_squeeze %dma_wait3A_151 : memref<1x180x128xi32, #tpu.memory_space<hbm>> -> memref<180x128xi32, #tpu.memory_space<hbm>>
      %dma_wait3A_153 = arith.constant 0 : i32
      %dma_wait3A_154 = arith.constant 0 : i32
      %dma_wait3A_155 = tpu.memref_slice %arg2[%add3A, %dma_wait3A_153, %dma_wait3A_154] : memref<32x180x128xi32, #tpu.memory_space<hbm>> -> memref<1x180x128xi32, #tpu.memory_space<hbm>>
      %dma_wait3A_156 = tpu.memref_squeeze %dma_wait3A_155 : memref<1x180x128xi32, #tpu.memory_space<hbm>> -> memref<180x128xi32, #tpu.memory_space<hbm>>
      tpu.wait_dma2 semaphore(%run_scoped3A_140 : memref<!tpu.dma_semaphore, #tpu.memory_space<semaphore_mem>>) src(%dma_wait3A_156 : memref<180x128xi32, #tpu.memory_space<hbm>>) dst(%arg5 : memref<180x128xi32, #tpu.memory_space<vmem>>)
      tpu.yield
    }) : () -> ()
    %dma_start3A = arith.constant 0 : i32
    %dma_start3A_3 = arith.constant 0 : i32
    %dma_start3A_4 = arith.constant 0 : i32
    %dma_start3A_5 = arith.constant 0 : i32
    %dma_start3A_6 = tpu.memref_slice %arg6[%dma_start3A_3, %dma_start3A_4, %dma_start3A_5] : memref<5x128x128xf32, #tpu.memory_space<vmem>> -> memref<1x128x128xf32, #tpu.memory_space<vmem>>
    %dma_start3A_7 = tpu.memref_squeeze %dma_start3A_6 : memref<1x128x128xf32, #tpu.memory_space<vmem>> -> memref<128x128xf32, #tpu.memory_space<vmem>>
    %dma_start3A_8 = arith.constant 0 : i32
    %dma_start3A_9 = tpu.memref_slice %arg5[%dma_start3A, %dma_start3A_8] : memref<180x128xi32, #tpu.memory_space<vmem>> -> memref<1x128xi32, #tpu.memory_space<vmem>>
    %dma_start3A_10 = tpu.memref_squeeze %dma_start3A_9 : memref<1x128xi32, #tpu.memory_space<vmem>> -> memref<128xi32, #tpu.memory_space<vmem>>
    %dma_start3A_11 = arith.constant 0 : i32
    %dma_start3A_12 = arith.constant 0 : i32
    %dma_start3A_13 = tpu.memref_slice %arg3[%dma_start3A_11, %dma_start3A_12] : memref<100000x128xf32, #tpu.memory_space<hbm>> -> memref<100000x128xf32, #tpu.memory_space<hbm>>
    tpu.enqueue_indirect_dma source(%dma_start3A_13 : memref<100000x128xf32, #tpu.memory_space<hbm>>) target(%dma_start3A_7 : memref<128x128xf32, #tpu.memory_space<vmem>>) offsets(%dma_start3A_10 : memref<128xi32, #tpu.memory_space<vmem>>) semaphore(%arg7 : memref<!tpu.dma_semaphore, #tpu.memory_space<semaphore_mem>>)
    %dma_start3A_14 = arith.constant 1 : i32
    %dma_start3A_15 = arith.constant 1 : i32
    %dma_start3A_16 = arith.constant 0 : i32
    %dma_start3A_17 = arith.constant 0 : i32
    %dma_start3A_18 = tpu.memref_slice %arg6[%dma_start3A_15, %dma_start3A_16, %dma_start3A_17] : memref<5x128x128xf32, #tpu.memory_space<vmem>> -> memref<1x128x128xf32, #tpu.memory_space<vmem>>
    %dma_start3A_19 = tpu.memref_squeeze %dma_start3A_18 : memref<1x128x128xf32, #tpu.memory_space<vmem>> -> memref<128x128xf32, #tpu.memory_space<vmem>>
    %dma_start3A_20 = arith.constant 0 : i32
    %dma_start3A_21 = tpu.memref_slice %arg5[%dma_start3A_14, %dma_start3A_20] : memref<180x128xi32, #tpu.memory_space<vmem>> -> memref<1x128xi32, #tpu.memory_space<vmem>>
    %dma_start3A_22 = tpu.memref_squeeze %dma_start3A_21 : memref<1x128xi32, #tpu.memory_space<vmem>> -> memref<128xi32, #tpu.memory_space<vmem>>
    %dma_start3A_23 = arith.constant 0 : i32
    %dma_start3A_24 = arith.constant 0 : i32
    %dma_start3A_25 = tpu.memref_slice %arg3[%dma_start3A_23, %dma_start3A_24] : memref<100000x128xf32, #tpu.memory_space<hbm>> -> memref<100000x128xf32, #tpu.memory_space<hbm>>
    tpu.enqueue_indirect_dma source(%dma_start3A_25 : memref<100000x128xf32, #tpu.memory_space<hbm>>) target(%dma_start3A_19 : memref<128x128xf32, #tpu.memory_space<vmem>>) offsets(%dma_start3A_22 : memref<128xi32, #tpu.memory_space<vmem>>) semaphore(%arg8 : memref<!tpu.dma_semaphore, #tpu.memory_space<semaphore_mem>>)
    %dma_start3A_26 = arith.constant 2 : i32
    %dma_start3A_27 = arith.constant 2 : i32
    %dma_start3A_28 = arith.constant 0 : i32
    %dma_start3A_29 = arith.constant 0 : i32
    %dma_start3A_30 = tpu.memref_slice %arg6[%dma_start3A_27, %dma_start3A_28, %dma_start3A_29] : memref<5x128x128xf32, #tpu.memory_space<vmem>> -> memref<1x128x128xf32, #tpu.memory_space<vmem>>
    %dma_start3A_31 = tpu.memref_squeeze %dma_start3A_30 : memref<1x128x128xf32, #tpu.memory_space<vmem>> -> memref<128x128xf32, #tpu.memory_space<vmem>>
    %dma_start3A_32 = arith.constant 0 : i32
    %dma_start3A_33 = tpu.memref_slice %arg5[%dma_start3A_26, %dma_start3A_32] : memref<180x128xi32, #tpu.memory_space<vmem>> -> memref<1x128xi32, #tpu.memory_space<vmem>>
    %dma_start3A_34 = tpu.memref_squeeze %dma_start3A_33 : memref<1x128xi32, #tpu.memory_space<vmem>> -> memref<128xi32, #tpu.memory_space<vmem>>
    %dma_start3A_35 = arith.constant 0 : i32
    %dma_start3A_36 = arith.constant 0 : i32
    %dma_start3A_37 = tpu.memref_slice %arg3[%dma_start3A_35, %dma_start3A_36] : memref<100000x128xf32, #tpu.memory_space<hbm>> -> memref<100000x128xf32, #tpu.memory_space<hbm>>
    tpu.enqueue_indirect_dma source(%dma_start3A_37 : memref<100000x128xf32, #tpu.memory_space<hbm>>) target(%dma_start3A_31 : memref<128x128xf32, #tpu.memory_space<vmem>>) offsets(%dma_start3A_34 : memref<128xi32, #tpu.memory_space<vmem>>) semaphore(%arg9 : memref<!tpu.dma_semaphore, #tpu.memory_space<semaphore_mem>>)
    %scan3A = arith.constant 0 : i32
    %scan3A_38 = arith.constant 0 : i32
    %scan3A_39 = arith.constant 35 : i32
    %scan3A_40 = arith.addi %scan3A_38, %scan3A_39 : i32
    %scan3A_41 = arith.constant 1 : i32
    scf.for %scan3A_140 = %scan3A_38 to %scan3A_40 step %scan3A_41  : i32 {
      %mul3A_141 = arith.constant 5 : i32
      %mul3A_142 = arith.muli %scan3A_140, %mul3A_141 : i32
      %add3A_143 = arith.constant 0 : i32
      %add3A_144 = arith.addi %mul3A_142, %add3A_143 : i32
      %dma_wait3A_145 = arith.constant 0 : i32
      %dma_wait3A_146 = arith.constant 0 : i32
      %dma_wait3A_147 = arith.constant 0 : i32
      %dma_wait3A_148 = arith.constant 0 : i32
      %dma_wait3A_149 = tpu.memref_slice %arg6[%dma_wait3A_146, %dma_wait3A_147, %dma_wait3A_148] : memref<5x128x128xf32, #tpu.memory_space<vmem>> -> memref<1x128x128xf32, #tpu.memory_space<vmem>>
      %dma_wait3A_150 = tpu.memref_squeeze %dma_wait3A_149 : memref<1x128x128xf32, #tpu.memory_space<vmem>> -> memref<128x128xf32, #tpu.memory_space<vmem>>
      %dma_wait3A_151 = arith.constant 0 : i32
      %dma_wait3A_152 = tpu.memref_slice %arg5[%dma_wait3A_145, %dma_wait3A_151] : memref<180x128xi32, #tpu.memory_space<vmem>> -> memref<1x128xi32, #tpu.memory_space<vmem>>
      %dma_wait3A_153 = tpu.memref_squeeze %dma_wait3A_152 : memref<1x128xi32, #tpu.memory_space<vmem>> -> memref<128xi32, #tpu.memory_space<vmem>>
      %dma_wait3A_154 = arith.constant 0 : i32
      %dma_wait3A_155 = arith.constant 0 : i32
      %dma_wait3A_156 = tpu.memref_slice %arg3[%dma_wait3A_154, %dma_wait3A_155] : memref<100000x128xf32, #tpu.memory_space<hbm>> -> memref<100000x128xf32, #tpu.memory_space<hbm>>
      tpu.wait_indirect_dma semaphore(%arg7 : memref<!tpu.dma_semaphore, #tpu.memory_space<semaphore_mem>>) src(%dma_wait3A_156 : memref<100000x128xf32, #tpu.memory_space<hbm>>) dst(%dma_wait3A_150 : memref<128x128xf32, #tpu.memory_space<vmem>>)
      %add3A_157 = arith.constant 3 : i32
      %add3A_158 = arith.addi %add3A_144, %add3A_157 : i32
      %dma_start3A_159 = arith.constant 3 : i32
      %dma_start3A_160 = arith.constant 0 : i32
      %dma_start3A_161 = arith.constant 0 : i32
      %dma_start3A_162 = tpu.memref_slice %arg6[%dma_start3A_159, %dma_start3A_160, %dma_start3A_161] : memref<5x128x128xf32, #tpu.memory_space<vmem>> -> memref<1x128x128xf32, #tpu.memory_space<vmem>>
      %dma_start3A_163 = tpu.memref_squeeze %dma_start3A_162 : memref<1x128x128xf32, #tpu.memory_space<vmem>> -> memref<128x128xf32, #tpu.memory_space<vmem>>
      %dma_start3A_164 = arith.constant 0 : i32
      %dma_start3A_165 = tpu.memref_slice %arg5[%add3A_158, %dma_start3A_164] : memref<180x128xi32, #tpu.memory_space<vmem>> -> memref<1x128xi32, #tpu.memory_space<vmem>>
      %dma_start3A_166 = tpu.memref_squeeze %dma_start3A_165 : memref<1x128xi32, #tpu.memory_space<vmem>> -> memref<128xi32, #tpu.memory_space<vmem>>
      %dma_start3A_167 = arith.constant 0 : i32
      %dma_start3A_168 = arith.constant 0 : i32
      %dma_start3A_169 = tpu.memref_slice %arg3[%dma_start3A_167, %dma_start3A_168] : memref<100000x128xf32, #tpu.memory_space<hbm>> -> memref<100000x128xf32, #tpu.memory_space<hbm>>
      tpu.enqueue_indirect_dma source(%dma_start3A_169 : memref<100000x128xf32, #tpu.memory_space<hbm>>) target(%dma_start3A_163 : memref<128x128xf32, #tpu.memory_space<vmem>>) offsets(%dma_start3A_166 : memref<128xi32, #tpu.memory_space<vmem>>) semaphore(%arg10 : memref<!tpu.dma_semaphore, #tpu.memory_space<semaphore_mem>>)
      %mul3A_170 = arith.constant 128 : i32
      %mul3A_171 = arith.muli %add3A_144, %mul3A_170 : i32
      %add3A_172 = arith.addi %mul3A_2, %mul3A_171 : i32
      %run_scoped3A_173 = arith.constant 0 : i32
      "tpu.region"() ({
        %run_scoped3A_306 = tpu.sem_alloc : memref<!tpu.dma_semaphore, #tpu.memory_space<semaphore_mem>>
        %dma_start3A_307 = arith.constant 0 : i32
        %dma_start3A_308 = arith.constant 0 : i32
        %dma_start3A_309 = tpu.memref_slice %arg6[%run_scoped3A_173, %dma_start3A_307, %dma_start3A_308] : memref<5x128x128xf32, #tpu.memory_space<vmem>> -> memref<1x128x128xf32, #tpu.memory_space<vmem>>
        %dma_start3A_310 = tpu.memref_squeeze %dma_start3A_309 : memref<1x128x128xf32, #tpu.memory_space<vmem>> -> memref<128x128xf32, #tpu.memory_space<vmem>>
        %dma_start3A_311 = arith.constant 0 : i32
        %dma_start3A_312 = tpu.memref_slice %arg4[%add3A_172, %dma_start3A_311] : memref<737280x128xf32, #tpu.memory_space<hbm>> -> memref<128x128xf32, #tpu.memory_space<hbm>>
        %dma_start3A_313 = arith.constant 0 : i32
        %dma_start3A_314 = tpu.memref_slice %arg4[%add3A_172, %dma_start3A_313] : memref<737280x128xf32, #tpu.memory_space<hbm>> -> memref<128x128xf32, #tpu.memory_space<hbm>>
        %dma_start3A_315 = arith.constant 0 : i32
        %dma_start3A_316 = arith.constant 0 : i32
        %dma_start3A_317 = tpu.memref_slice %arg6[%run_scoped3A_173, %dma_start3A_315, %dma_start3A_316] : memref<5x128x128xf32, #tpu.memory_space<vmem>> -> memref<1x128x128xf32, #tpu.memory_space<vmem>>
        %dma_start3A_318 = tpu.memref_squeeze %dma_start3A_317 : memref<1x128x128xf32, #tpu.memory_space<vmem>> -> memref<128x128xf32, #tpu.memory_space<vmem>>
        tpu.enqueue_dma source(%dma_start3A_318 : memref<128x128xf32, #tpu.memory_space<vmem>>) target(%dma_start3A_314 : memref<128x128xf32, #tpu.memory_space<hbm>>) target_semaphore(%run_scoped3A_306 : memref<!tpu.dma_semaphore, #tpu.memory_space<semaphore_mem>>)
        %dma_wait3A_319 = arith.constant 0 : i32
        %dma_wait3A_320 = arith.constant 0 : i32
        %dma_wait3A_321 = tpu.memref_slice %arg6[%run_scoped3A_173, %dma_wait3A_319, %dma_wait3A_320] : memref<5x128x128xf32, #tpu.memory_space<vmem>> -> memref<1x128x128xf32, #tpu.memory_space<vmem>>
        %dma_wait3A_322 = tpu.memref_squeeze %dma_wait3A_321 : memref<1x128x128xf32, #tpu.memory_space<vmem>> -> memref<128x128xf32, #tpu.memory_space<vmem>>
        %dma_wait3A_323 = arith.constant 0 : i32
        %dma_wait3A_324 = tpu.memref_slice %arg4[%add3A_172, %dma_wait3A_323] : memref<737280x128xf32, #tpu.memory_space<hbm>> -> memref<128x128xf32, #tpu.memory_space<hbm>>
        %dma_wait3A_325 = arith.constant 0 : i32
        %dma_wait3A_326 = tpu.memref_slice %arg4[%add3A_172, %dma_wait3A_325] : memref<737280x128xf32, #tpu.memory_space<hbm>> -> memref<128x128xf32, #tpu.memory_space<hbm>>
        %dma_wait3A_327 = arith.constant 0 : i32
        %dma_wait3A_328 = arith.constant 0 : i32
        %dma_wait3A_329 = tpu.memref_slice %arg6[%run_scoped3A_173, %dma_wait3A_327, %dma_wait3A_328] : memref<5x128x128xf32, #tpu.memory_space<vmem>> -> memref<1x128x128xf32, #tpu.memory_space<vmem>>
        %dma_wait3A_330 = tpu.memref_squeeze %dma_wait3A_329 : memref<1x128x128xf32, #tpu.memory_space<vmem>> -> memref<128x128xf32, #tpu.memory_space<vmem>>
        tpu.wait_dma2 semaphore(%run_scoped3A_306 : memref<!tpu.dma_semaphore, #tpu.memory_space<semaphore_mem>>) src(%dma_wait3A_330 : memref<128x128xf32, #tpu.memory_space<vmem>>) dst(%dma_wait3A_326 : memref<128x128xf32, #tpu.memory_space<hbm>>)
        tpu.yield
      }) : () -> ()
      %mul3A_174 = arith.constant 5 : i32
      %mul3A_175 = arith.muli %scan3A_140, %mul3A_174 : i32
      %add3A_176 = arith.constant 1 : i32
      %add3A_177 = arith.addi %mul3A_175, %add3A_176 : i32
      %dma_wait3A_178 = arith.constant 0 : i32
      %dma_wait3A_179 = arith.constant 1 : i32
      %dma_wait3A_180 = arith.constant 0 : i32
      %dma_wait3A_181 = arith.constant 0 : i32
      %dma_wait3A_182 = tpu.memref_slice %arg6[%dma_wait3A_179, %dma_wait3A_180, %dma_wait3A_181] : memref<5x128x128xf32, #tpu.memory_space<vmem>> -> memref<1x128x128xf32, #tpu.memory_space<vmem>>
      %dma_wait3A_183 = tpu.memref_squeeze %dma_wait3A_182 : memref<1x128x128xf32, #tpu.memory_space<vmem>> -> memref<128x128xf32, #tpu.memory_space<vmem>>
      %dma_wait3A_184 = arith.constant 0 : i32
      %dma_wait3A_185 = tpu.memref_slice %arg5[%dma_wait3A_178, %dma_wait3A_184] : memref<180x128xi32, #tpu.memory_space<vmem>> -> memref<1x128xi32, #tpu.memory_space<vmem>>
      %dma_wait3A_186 = tpu.memref_squeeze %dma_wait3A_185 : memref<1x128xi32, #tpu.memory_space<vmem>> -> memref<128xi32, #tpu.memory_space<vmem>>
      %dma_wait3A_187 = arith.constant 0 : i32
      %dma_wait3A_188 = arith.constant 0 : i32
      %dma_wait3A_189 = tpu.memref_slice %arg3[%dma_wait3A_187, %dma_wait3A_188] : memref<100000x128xf32, #tpu.memory_space<hbm>> -> memref<100000x128xf32, #tpu.memory_space<hbm>>
      tpu.wait_indirect_dma semaphore(%arg8 : memref<!tpu.dma_semaphore, #tpu.memory_space<semaphore_mem>>) src(%dma_wait3A_189 : memref<100000x128xf32, #tpu.memory_space<hbm>>) dst(%dma_wait3A_183 : memref<128x128xf32, #tpu.memory_space<vmem>>)
      %add3A_190 = arith.constant 3 : i32
      %add3A_191 = arith.addi %add3A_177, %add3A_190 : i32
      %dma_start3A_192 = arith.constant 4 : i32
      %dma_start3A_193 = arith.constant 0 : i32
      %dma_start3A_194 = arith.constant 0 : i32
      %dma_start3A_195 = tpu.memref_slice %arg6[%dma_start3A_192, %dma_start3A_193, %dma_start3A_194] : memref<5x128x128xf32, #tpu.memory_space<vmem>> -> memref<1x128x128xf32, #tpu.memory_space<vmem>>
      %dma_start3A_196 = tpu.memref_squeeze %dma_start3A_195 : memref<1x128x128xf32, #tpu.memory_space<vmem>> -> memref<128x128xf32, #tpu.memory_space<vmem>>
      %dma_start3A_197 = arith.constant 0 : i32
      %dma_start3A_198 = tpu.memref_slice %arg5[%add3A_191, %dma_start3A_197] : memref<180x128xi32, #tpu.memory_space<vmem>> -> memref<1x128xi32, #tpu.memory_space<vmem>>
      %dma_start3A_199 = tpu.memref_squeeze %dma_start3A_198 : memref<1x128xi32, #tpu.memory_space<vmem>> -> memref<128xi32, #tpu.memory_space<vmem>>
      %dma_start3A_200 = arith.constant 0 : i32
      %dma_start3A_201 = arith.constant 0 : i32
      %dma_start3A_202 = tpu.memref_slice %arg3[%dma_start3A_200, %dma_start3A_201] : memref<100000x128xf32, #tpu.memory_space<hbm>> -> memref<100000x128xf32, #tpu.memory_space<hbm>>
      tpu.enqueue_indirect_dma source(%dma_start3A_202 : memref<100000x128xf32, #tpu.memory_space<hbm>>) target(%dma_start3A_196 : memref<128x128xf32, #tpu.memory_space<vmem>>) offsets(%dma_start3A_199 : memref<128xi32, #tpu.memory_space<vmem>>) semaphore(%arg11 : memref<!tpu.dma_semaphore, #tpu.memory_space<semaphore_mem>>)
      %mul3A_203 = arith.constant 128 : i32
      %mul3A_204 = arith.muli %add3A_177, %mul3A_203 : i32
      %add3A_205 = arith.addi %mul3A_2, %mul3A_204 : i32
      %run_scoped3A_206 = arith.constant 1 : i32
      "tpu.region"() ({
        %run_scoped3A_306 = tpu.sem_alloc : memref<!tpu.dma_semaphore, #tpu.memory_space<semaphore_mem>>
        %dma_start3A_307 = arith.constant 0 : i32
        %dma_start3A_308 = arith.constant 0 : i32
        %dma_start3A_309 = tpu.memref_slice %arg6[%run_scoped3A_206, %dma_start3A_307, %dma_start3A_308] : memref<5x128x128xf32, #tpu.memory_space<vmem>> -> memref<1x128x128xf32, #tpu.memory_space<vmem>>
        %dma_start3A_310 = tpu.memref_squeeze %dma_start3A_309 : memref<1x128x128xf32, #tpu.memory_space<vmem>> -> memref<128x128xf32, #tpu.memory_space<vmem>>
        %dma_start3A_311 = arith.constant 0 : i32
        %dma_start3A_312 = tpu.memref_slice %arg4[%add3A_205, %dma_start3A_311] : memref<737280x128xf32, #tpu.memory_space<hbm>> -> memref<128x128xf32, #tpu.memory_space<hbm>>
        %dma_start3A_313 = arith.constant 0 : i32
        %dma_start3A_314 = tpu.memref_slice %arg4[%add3A_205, %dma_start3A_313] : memref<737280x128xf32, #tpu.memory_space<hbm>> -> memref<128x128xf32, #tpu.memory_space<hbm>>
        %dma_start3A_315 = arith.constant 0 : i32
        %dma_start3A_316 = arith.constant 0 : i32
        %dma_start3A_317 = tpu.memref_slice %arg6[%run_scoped3A_206, %dma_start3A_315, %dma_start3A_316] : memref<5x128x128xf32, #tpu.memory_space<vmem>> -> memref<1x128x128xf32, #tpu.memory_space<vmem>>
        %dma_start3A_318 = tpu.memref_squeeze %dma_start3A_317 : memref<1x128x128xf32, #tpu.memory_space<vmem>> -> memref<128x128xf32, #tpu.memory_space<vmem>>
        tpu.enqueue_dma source(%dma_start3A_318 : memref<128x128xf32, #tpu.memory_space<vmem>>) target(%dma_start3A_314 : memref<128x128xf32, #tpu.memory_space<hbm>>) target_semaphore(%run_scoped3A_306 : memref<!tpu.dma_semaphore, #tpu.memory_space<semaphore_mem>>)
        %dma_wait3A_319 = arith.constant 0 : i32
        %dma_wait3A_320 = arith.constant 0 : i32
        %dma_wait3A_321 = tpu.memref_slice %arg6[%run_scoped3A_206, %dma_wait3A_319, %dma_wait3A_320] : memref<5x128x128xf32, #tpu.memory_space<vmem>> -> memref<1x128x128xf32, #tpu.memory_space<vmem>>
        %dma_wait3A_322 = tpu.memref_squeeze %dma_wait3A_321 : memref<1x128x128xf32, #tpu.memory_space<vmem>> -> memref<128x128xf32, #tpu.memory_space<vmem>>
        %dma_wait3A_323 = arith.constant 0 : i32
        %dma_wait3A_324 = tpu.memref_slice %arg4[%add3A_205, %dma_wait3A_323] : memref<737280x128xf32, #tpu.memory_space<hbm>> -> memref<128x128xf32, #tpu.memory_space<hbm>>
        %dma_wait3A_325 = arith.constant 0 : i32
        %dma_wait3A_326 = tpu.memref_slice %arg4[%add3A_205, %dma_wait3A_325] : memref<737280x128xf32, #tpu.memory_space<hbm>> -> memref<128x128xf32, #tpu.memory_space<hbm>>
        %dma_wait3A_327 = arith.constant 0 : i32
        %dma_wait3A_328 = arith.constant 0 : i32
        %dma_wait3A_329 = tpu.memref_slice %arg6[%run_scoped3A_206, %dma_wait3A_327, %dma_wait3A_328] : memref<5x128x128xf32, #tpu.memory_space<vmem>> -> memref<1x128x128xf32, #tpu.memory_space<vmem>>
        %dma_wait3A_330 = tpu.memref_squeeze %dma_wait3A_329 : memref<1x128x128xf32, #tpu.memory_space<vmem>> -> memref<128x128xf32, #tpu.memory_space<vmem>>
        tpu.wait_dma2 semaphore(%run_scoped3A_306 : memref<!tpu.dma_semaphore, #tpu.memory_space<semaphore_mem>>) src(%dma_wait3A_330 : memref<128x128xf32, #tpu.memory_space<vmem>>) dst(%dma_wait3A_326 : memref<128x128xf32, #tpu.memory_space<hbm>>)
        tpu.yield
      }) : () -> ()
      %mul3A_207 = arith.constant 5 : i32
      %mul3A_208 = arith.muli %scan3A_140, %mul3A_207 : i32
      %add3A_209 = arith.constant 2 : i32
      %add3A_210 = arith.addi %mul3A_208, %add3A_209 : i32
      %dma_wait3A_211 = arith.constant 0 : i32
      %dma_wait3A_212 = arith.constant 2 : i32
      %dma_wait3A_213 = arith.constant 0 : i32
      %dma_wait3A_214 = arith.constant 0 : i32
      %dma_wait3A_215 = tpu.memref_slice %arg6[%dma_wait3A_212, %dma_wait3A_213, %dma_wait3A_214] : memref<5x128x128xf32, #tpu.memory_space<vmem>> -> memref<1x128x128xf32, #tpu.memory_space<vmem>>
      %dma_wait3A_216 = tpu.memref_squeeze %dma_wait3A_215 : memref<1x128x128xf32, #tpu.memory_space<vmem>> -> memref<128x128xf32, #tpu.memory_space<vmem>>
      %dma_wait3A_217 = arith.constant 0 : i32
      %dma_wait3A_218 = tpu.memref_slice %arg5[%dma_wait3A_211, %dma_wait3A_217] : memref<180x128xi32, #tpu.memory_space<vmem>> -> memref<1x128xi32, #tpu.memory_space<vmem>>
      %dma_wait3A_219 = tpu.memref_squeeze %dma_wait3A_218 : memref<1x128xi32, #tpu.memory_space<vmem>> -> memref<128xi32, #tpu.memory_space<vmem>>
      %dma_wait3A_220 = arith.constant 0 : i32
      %dma_wait3A_221 = arith.constant 0 : i32
      %dma_wait3A_222 = tpu.memref_slice %arg3[%dma_wait3A_220, %dma_wait3A_221] : memref<100000x128xf32, #tpu.memory_space<hbm>> -> memref<100000x128xf32, #tpu.memory_space<hbm>>
      tpu.wait_indirect_dma semaphore(%arg9 : memref<!tpu.dma_semaphore, #tpu.memory_space<semaphore_mem>>) src(%dma_wait3A_222 : memref<100000x128xf32, #tpu.memory_space<hbm>>) dst(%dma_wait3A_216 : memref<128x128xf32, #tpu.memory_space<vmem>>)
      %add3A_223 = arith.constant 3 : i32
      %add3A_224 = arith.addi %add3A_210, %add3A_223 : i32
      %dma_start3A_225 = arith.constant 0 : i32
      %dma_start3A_226 = arith.constant 0 : i32
      %dma_start3A_227 = arith.constant 0 : i32
      %dma_start3A_228 = tpu.memref_slice %arg6[%dma_start3A_225, %dma_start3A_226, %dma_start3A_227] : memref<5x128x128xf32, #tpu.memory_space<vmem>> -> memref<1x128x128xf32, #tpu.memory_space<vmem>>
      %dma_start3A_229 = tpu.memref_squeeze %dma_start3A_228 : memref<1x128x128xf32, #tpu.memory_space<vmem>> -> memref<128x128xf32, #tpu.memory_space<vmem>>
      %dma_start3A_230 = arith.constant 0 : i32
      %dma_start3A_231 = tpu.memref_slice %arg5[%add3A_224, %dma_start3A_230] : memref<180x128xi32, #tpu.memory_space<vmem>> -> memref<1x128xi32, #tpu.memory_space<vmem>>
      %dma_start3A_232 = tpu.memref_squeeze %dma_start3A_231 : memref<1x128xi32, #tpu.memory_space<vmem>> -> memref<128xi32, #tpu.memory_space<vmem>>
      %dma_start3A_233 = arith.constant 0 : i32
      %dma_start3A_234 = arith.constant 0 : i32
      %dma_start3A_235 = tpu.memref_slice %arg3[%dma_start3A_233, %dma_start3A_234] : memref<100000x128xf32, #tpu.memory_space<hbm>> -> memref<100000x128xf32, #tpu.memory_space<hbm>>
      tpu.enqueue_indirect_dma source(%dma_start3A_235 : memref<100000x128xf32, #tpu.memory_space<hbm>>) target(%dma_start3A_229 : memref<128x128xf32, #tpu.memory_space<vmem>>) offsets(%dma_start3A_232 : memref<128xi32, #tpu.memory_space<vmem>>) semaphore(%arg7 : memref<!tpu.dma_semaphore, #tpu.memory_space<semaphore_mem>>)
      %mul3A_236 = arith.constant 128 : i32
      %mul3A_237 = arith.muli %add3A_210, %mul3A_236 : i32
      %add3A_238 = arith.addi %mul3A_2, %mul3A_237 : i32
      %run_scoped3A_239 = arith.constant 2 : i32
      "tpu.region"() ({
        %run_scoped3A_306 = tpu.sem_alloc : memref<!tpu.dma_semaphore, #tpu.memory_space<semaphore_mem>>
        %dma_start3A_307 = arith.constant 0 : i32
        %dma_start3A_308 = arith.constant 0 : i32
        %dma_start3A_309 = tpu.memref_slice %arg6[%run_scoped3A_239, %dma_start3A_307, %dma_start3A_308] : memref<5x128x128xf32, #tpu.memory_space<vmem>> -> memref<1x128x128xf32, #tpu.memory_space<vmem>>
        %dma_start3A_310 = tpu.memref_squeeze %dma_start3A_309 : memref<1x128x128xf32, #tpu.memory_space<vmem>> -> memref<128x128xf32, #tpu.memory_space<vmem>>
        %dma_start3A_311 = arith.constant 0 : i32
        %dma_start3A_312 = tpu.memref_slice %arg4[%add3A_238, %dma_start3A_311] : memref<737280x128xf32, #tpu.memory_space<hbm>> -> memref<128x128xf32, #tpu.memory_space<hbm>>
        %dma_start3A_313 = arith.constant 0 : i32
        %dma_start3A_314 = tpu.memref_slice %arg4[%add3A_238, %dma_start3A_313] : memref<737280x128xf32, #tpu.memory_space<hbm>> -> memref<128x128xf32, #tpu.memory_space<hbm>>
        %dma_start3A_315 = arith.constant 0 : i32
        %dma_start3A_316 = arith.constant 0 : i32
        %dma_start3A_317 = tpu.memref_slice %arg6[%run_scoped3A_239, %dma_start3A_315, %dma_start3A_316] : memref<5x128x128xf32, #tpu.memory_space<vmem>> -> memref<1x128x128xf32, #tpu.memory_space<vmem>>
        %dma_start3A_318 = tpu.memref_squeeze %dma_start3A_317 : memref<1x128x128xf32, #tpu.memory_space<vmem>> -> memref<128x128xf32, #tpu.memory_space<vmem>>
        tpu.enqueue_dma source(%dma_start3A_318 : memref<128x128xf32, #tpu.memory_space<vmem>>) target(%dma_start3A_314 : memref<128x128xf32, #tpu.memory_space<hbm>>) target_semaphore(%run_scoped3A_306 : memref<!tpu.dma_semaphore, #tpu.memory_space<semaphore_mem>>)
        %dma_wait3A_319 = arith.constant 0 : i32
        %dma_wait3A_320 = arith.constant 0 : i32
        %dma_wait3A_321 = tpu.memref_slice %arg6[%run_scoped3A_239, %dma_wait3A_319, %dma_wait3A_320] : memref<5x128x128xf32, #tpu.memory_space<vmem>> -> memref<1x128x128xf32, #tpu.memory_space<vmem>>
        %dma_wait3A_322 = tpu.memref_squeeze %dma_wait3A_321 : memref<1x128x128xf32, #tpu.memory_space<vmem>> -> memref<128x128xf32, #tpu.memory_space<vmem>>
        %dma_wait3A_323 = arith.constant 0 : i32
        %dma_wait3A_324 = tpu.memref_slice %arg4[%add3A_238, %dma_wait3A_323] : memref<737280x128xf32, #tpu.memory_space<hbm>> -> memref<128x128xf32, #tpu.memory_space<hbm>>
        %dma_wait3A_325 = arith.constant 0 : i32
        %dma_wait3A_326 = tpu.memref_slice %arg4[%add3A_238, %dma_wait3A_325] : memref<737280x128xf32, #tpu.memory_space<hbm>> -> memref<128x128xf32, #tpu.memory_space<hbm>>
        %dma_wait3A_327 = arith.constant 0 : i32
        %dma_wait3A_328 = arith.constant 0 : i32
        %dma_wait3A_329 = tpu.memref_slice %arg6[%run_scoped3A_239, %dma_wait3A_327, %dma_wait3A_328] : memref<5x128x128xf32, #tpu.memory_space<vmem>> -> memref<1x128x128xf32, #tpu.memory_space<vmem>>
        %dma_wait3A_330 = tpu.memref_squeeze %dma_wait3A_329 : memref<1x128x128xf32, #tpu.memory_space<vmem>> -> memref<128x128xf32, #tpu.memory_space<vmem>>
        tpu.wait_dma2 semaphore(%run_scoped3A_306 : memref<!tpu.dma_semaphore, #tpu.memory_space<semaphore_mem>>) src(%dma_wait3A_330 : memref<128x128xf32, #tpu.memory_space<vmem>>) dst(%dma_wait3A_326 : memref<128x128xf32, #tpu.memory_space<hbm>>)
        tpu.yield
      }) : () -> ()
      %mul3A_240 = arith.constant 5 : i32
      %mul3A_241 = arith.muli %scan3A_140, %mul3A_240 : i32
      %add3A_242 = arith.constant 3 : i32
      %add3A_243 = arith.addi %mul3A_241, %add3A_242 : i32
      %dma_wait3A_244 = arith.constant 0 : i32
      %dma_wait3A_245 = arith.constant 3 : i32
      %dma_wait3A_246 = arith.constant 0 : i32
      %dma_wait3A_247 = arith.constant 0 : i32
      %dma_wait3A_248 = tpu.memref_slice %arg6[%dma_wait3A_245, %dma_wait3A_246, %dma_wait3A_247] : memref<5x128x128xf32, #tpu.memory_space<vmem>> -> memref<1x128x128xf32, #tpu.memory_space<vmem>>
      %dma_wait3A_249 = tpu.memref_squeeze %dma_wait3A_248 : memref<1x128x128xf32, #tpu.memory_space<vmem>> -> memref<128x128xf32, #tpu.memory_space<vmem>>
      %dma_wait3A_250 = arith.constant 0 : i32
      %dma_wait3A_251 = tpu.memref_slice %arg5[%dma_wait3A_244, %dma_wait3A_250] : memref<180x128xi32, #tpu.memory_space<vmem>> -> memref<1x128xi32, #tpu.memory_space<vmem>>
      %dma_wait3A_252 = tpu.memref_squeeze %dma_wait3A_251 : memref<1x128xi32, #tpu.memory_space<vmem>> -> memref<128xi32, #tpu.memory_space<vmem>>
      %dma_wait3A_253 = arith.constant 0 : i32
      %dma_wait3A_254 = arith.constant 0 : i32
      %dma_wait3A_255 = tpu.memref_slice %arg3[%dma_wait3A_253, %dma_wait3A_254] : memref<100000x128xf32, #tpu.memory_space<hbm>> -> memref<100000x128xf32, #tpu.memory_space<hbm>>
      tpu.wait_indirect_dma semaphore(%arg10 : memref<!tpu.dma_semaphore, #tpu.memory_space<semaphore_mem>>) src(%dma_wait3A_255 : memref<100000x128xf32, #tpu.memory_space<hbm>>) dst(%dma_wait3A_249 : memref<128x128xf32, #tpu.memory_space<vmem>>)
      %add3A_256 = arith.constant 3 : i32
      %add3A_257 = arith.addi %add3A_243, %add3A_256 : i32
      %dma_start3A_258 = arith.constant 1 : i32
      %dma_start3A_259 = arith.constant 0 : i32
      %dma_start3A_260 = arith.constant 0 : i32
      %dma_start3A_261 = tpu.memref_slice %arg6[%dma_start3A_258, %dma_start3A_259, %dma_start3A_260] : memref<5x128x128xf32, #tpu.memory_space<vmem>> -> memref<1x128x128xf32, #tpu.memory_space<vmem>>
      %dma_start3A_262 = tpu.memref_squeeze %dma_start3A_261 : memref<1x128x128xf32, #tpu.memory_space<vmem>> -> memref<128x128xf32, #tpu.memory_space<vmem>>
      %dma_start3A_263 = arith.constant 0 : i32
      %dma_start3A_264 = tpu.memref_slice %arg5[%add3A_257, %dma_start3A_263] : memref<180x128xi32, #tpu.memory_space<vmem>> -> memref<1x128xi32, #tpu.memory_space<vmem>>
      %dma_start3A_265 = tpu.memref_squeeze %dma_start3A_264 : memref<1x128xi32, #tpu.memory_space<vmem>> -> memref<128xi32, #tpu.memory_space<vmem>>
      %dma_start3A_266 = arith.constant 0 : i32
      %dma_start3A_267 = arith.constant 0 : i32
      %dma_start3A_268 = tpu.memref_slice %arg3[%dma_start3A_266, %dma_start3A_267] : memref<100000x128xf32, #tpu.memory_space<hbm>> -> memref<100000x128xf32, #tpu.memory_space<hbm>>
      tpu.enqueue_indirect_dma source(%dma_start3A_268 : memref<100000x128xf32, #tpu.memory_space<hbm>>) target(%dma_start3A_262 : memref<128x128xf32, #tpu.memory_space<vmem>>) offsets(%dma_start3A_265 : memref<128xi32, #tpu.memory_space<vmem>>) semaphore(%arg8 : memref<!tpu.dma_semaphore, #tpu.memory_space<semaphore_mem>>)
      %mul3A_269 = arith.constant 128 : i32
      %mul3A_270 = arith.muli %add3A_243, %mul3A_269 : i32
      %add3A_271 = arith.addi %mul3A_2, %mul3A_270 : i32
      %run_scoped3A_272 = arith.constant 3 : i32
      "tpu.region"() ({
        %run_scoped3A_306 = tpu.sem_alloc : memref<!tpu.dma_semaphore, #tpu.memory_space<semaphore_mem>>
        %dma_start3A_307 = arith.constant 0 : i32
        %dma_start3A_308 = arith.constant 0 : i32
        %dma_start3A_309 = tpu.memref_slice %arg6[%run_scoped3A_272, %dma_start3A_307, %dma_start3A_308] : memref<5x128x128xf32, #tpu.memory_space<vmem>> -> memref<1x128x128xf32, #tpu.memory_space<vmem>>
        %dma_start3A_310 = tpu.memref_squeeze %dma_start3A_309 : memref<1x128x128xf32, #tpu.memory_space<vmem>> -> memref<128x128xf32, #tpu.memory_space<vmem>>
        %dma_start3A_311 = arith.constant 0 : i32
        %dma_start3A_312 = tpu.memref_slice %arg4[%add3A_271, %dma_start3A_311] : memref<737280x128xf32, #tpu.memory_space<hbm>> -> memref<128x128xf32, #tpu.memory_space<hbm>>
        %dma_start3A_313 = arith.constant 0 : i32
        %dma_start3A_314 = tpu.memref_slice %arg4[%add3A_271, %dma_start3A_313] : memref<737280x128xf32, #tpu.memory_space<hbm>> -> memref<128x128xf32, #tpu.memory_space<hbm>>
        %dma_start3A_315 = arith.constant 0 : i32
        %dma_start3A_316 = arith.constant 0 : i32
        %dma_start3A_317 = tpu.memref_slice %arg6[%run_scoped3A_272, %dma_start3A_315, %dma_start3A_316] : memref<5x128x128xf32, #tpu.memory_space<vmem>> -> memref<1x128x128xf32, #tpu.memory_space<vmem>>
        %dma_start3A_318 = tpu.memref_squeeze %dma_start3A_317 : memref<1x128x128xf32, #tpu.memory_space<vmem>> -> memref<128x128xf32, #tpu.memory_space<vmem>>
        tpu.enqueue_dma source(%dma_start3A_318 : memref<128x128xf32, #tpu.memory_space<vmem>>) target(%dma_start3A_314 : memref<128x128xf32, #tpu.memory_space<hbm>>) target_semaphore(%run_scoped3A_306 : memref<!tpu.dma_semaphore, #tpu.memory_space<semaphore_mem>>)
        %dma_wait3A_319 = arith.constant 0 : i32
        %dma_wait3A_320 = arith.constant 0 : i32
        %dma_wait3A_321 = tpu.memref_slice %arg6[%run_scoped3A_272, %dma_wait3A_319, %dma_wait3A_320] : memref<5x128x128xf32, #tpu.memory_space<vmem>> -> memref<1x128x128xf32, #tpu.memory_space<vmem>>
        %dma_wait3A_322 = tpu.memref_squeeze %dma_wait3A_321 : memref<1x128x128xf32, #tpu.memory_space<vmem>> -> memref<128x128xf32, #tpu.memory_space<vmem>>
        %dma_wait3A_323 = arith.constant 0 : i32
        %dma_wait3A_324 = tpu.memref_slice %arg4[%add3A_271, %dma_wait3A_323] : memref<737280x128xf32, #tpu.memory_space<hbm>> -> memref<128x128xf32, #tpu.memory_space<hbm>>
        %dma_wait3A_325 = arith.constant 0 : i32
        %dma_wait3A_326 = tpu.memref_slice %arg4[%add3A_271, %dma_wait3A_325] : memref<737280x128xf32, #tpu.memory_space<hbm>> -> memref<128x128xf32, #tpu.memory_space<hbm>>
        %dma_wait3A_327 = arith.constant 0 : i32
        %dma_wait3A_328 = arith.constant 0 : i32
        %dma_wait3A_329 = tpu.memref_slice %arg6[%run_scoped3A_272, %dma_wait3A_327, %dma_wait3A_328] : memref<5x128x128xf32, #tpu.memory_space<vmem>> -> memref<1x128x128xf32, #tpu.memory_space<vmem>>
        %dma_wait3A_330 = tpu.memref_squeeze %dma_wait3A_329 : memref<1x128x128xf32, #tpu.memory_space<vmem>> -> memref<128x128xf32, #tpu.memory_space<vmem>>
        tpu.wait_dma2 semaphore(%run_scoped3A_306 : memref<!tpu.dma_semaphore, #tpu.memory_space<semaphore_mem>>) src(%dma_wait3A_330 : memref<128x128xf32, #tpu.memory_space<vmem>>) dst(%dma_wait3A_326 : memref<128x128xf32, #tpu.memory_space<hbm>>)
        tpu.yield
      }) : () -> ()
      %mul3A_273 = arith.constant 5 : i32
      %mul3A_274 = arith.muli %scan3A_140, %mul3A_273 : i32
      %add3A_275 = arith.constant 4 : i32
      %add3A_276 = arith.addi %mul3A_274, %add3A_275 : i32
      %dma_wait3A_277 = arith.constant 0 : i32
      %dma_wait3A_278 = arith.constant 4 : i32
      %dma_wait3A_279 = arith.constant 0 : i32
      %dma_wait3A_280 = arith.constant 0 : i32
      %dma_wait3A_281 = tpu.memref_slice %arg6[%dma_wait3A_278, %dma_wait3A_279, %dma_wait3A_280] : memref<5x128x128xf32, #tpu.memory_space<vmem>> -> memref<1x128x128xf32, #tpu.memory_space<vmem>>
      %dma_wait3A_282 = tpu.memref_squeeze %dma_wait3A_281 : memref<1x128x128xf32, #tpu.memory_space<vmem>> -> memref<128x128xf32, #tpu.memory_space<vmem>>
      %dma_wait3A_283 = arith.constant 0 : i32
      %dma_wait3A_284 = tpu.memref_slice %arg5[%dma_wait3A_277, %dma_wait3A_283] : memref<180x128xi32, #tpu.memory_space<vmem>> -> memref<1x128xi32, #tpu.memory_space<vmem>>
      %dma_wait3A_285 = tpu.memref_squeeze %dma_wait3A_284 : memref<1x128xi32, #tpu.memory_space<vmem>> -> memref<128xi32, #tpu.memory_space<vmem>>
      %dma_wait3A_286 = arith.constant 0 : i32
      %dma_wait3A_287 = arith.constant 0 : i32
      %dma_wait3A_288 = tpu.memref_slice %arg3[%dma_wait3A_286, %dma_wait3A_287] : memref<100000x128xf32, #tpu.memory_space<hbm>> -> memref<100000x128xf32, #tpu.memory_space<hbm>>
      tpu.wait_indirect_dma semaphore(%arg11 : memref<!tpu.dma_semaphore, #tpu.memory_space<semaphore_mem>>) src(%dma_wait3A_288 : memref<100000x128xf32, #tpu.memory_space<hbm>>) dst(%dma_wait3A_282 : memref<128x128xf32, #tpu.memory_space<vmem>>)
      %add3A_289 = arith.constant 3 : i32
      %add3A_290 = arith.addi %add3A_276, %add3A_289 : i32
      %dma_start3A_291 = arith.constant 2 : i32
      %dma_start3A_292 = arith.constant 0 : i32
      %dma_start3A_293 = arith.constant 0 : i32
      %dma_start3A_294 = tpu.memref_slice %arg6[%dma_start3A_291, %dma_start3A_292, %dma_start3A_293] : memref<5x128x128xf32, #tpu.memory_space<vmem>> -> memref<1x128x128xf32, #tpu.memory_space<vmem>>
      %dma_start3A_295 = tpu.memref_squeeze %dma_start3A_294 : memref<1x128x128xf32, #tpu.memory_space<vmem>> -> memref<128x128xf32, #tpu.memory_space<vmem>>
      %dma_start3A_296 = arith.constant 0 : i32
      %dma_start3A_297 = tpu.memref_slice %arg5[%add3A_290, %dma_start3A_296] : memref<180x128xi32, #tpu.memory_space<vmem>> -> memref<1x128xi32, #tpu.memory_space<vmem>>
      %dma_start3A_298 = tpu.memref_squeeze %dma_start3A_297 : memref<1x128xi32, #tpu.memory_space<vmem>> -> memref<128xi32, #tpu.memory_space<vmem>>
      %dma_start3A_299 = arith.constant 0 : i32
      %dma_start3A_300 = arith.constant 0 : i32
      %dma_start3A_301 = tpu.memref_slice %arg3[%dma_start3A_299, %dma_start3A_300] : memref<100000x128xf32, #tpu.memory_space<hbm>> -> memref<100000x128xf32, #tpu.memory_space<hbm>>
      tpu.enqueue_indirect_dma source(%dma_start3A_301 : memref<100000x128xf32, #tpu.memory_space<hbm>>) target(%dma_start3A_295 : memref<128x128xf32, #tpu.memory_space<vmem>>) offsets(%dma_start3A_298 : memref<128xi32, #tpu.memory_space<vmem>>) semaphore(%arg9 : memref<!tpu.dma_semaphore, #tpu.memory_space<semaphore_mem>>)
      %mul3A_302 = arith.constant 128 : i32
      %mul3A_303 = arith.muli %add3A_276, %mul3A_302 : i32
      %add3A_304 = arith.addi %mul3A_2, %mul3A_303 : i32
      %run_scoped3A_305 = arith.constant 4 : i32
      "tpu.region"() ({
        %run_scoped3A_306 = tpu.sem_alloc : memref<!tpu.dma_semaphore, #tpu.memory_space<semaphore_mem>>
        %dma_start3A_307 = arith.constant 0 : i32
        %dma_start3A_308 = arith.constant 0 : i32
        %dma_start3A_309 = tpu.memref_slice %arg6[%run_scoped3A_305, %dma_start3A_307, %dma_start3A_308] : memref<5x128x128xf32, #tpu.memory_space<vmem>> -> memref<1x128x128xf32, #tpu.memory_space<vmem>>
        %dma_start3A_310 = tpu.memref_squeeze %dma_start3A_309 : memref<1x128x128xf32, #tpu.memory_space<vmem>> -> memref<128x128xf32, #tpu.memory_space<vmem>>
        %dma_start3A_311 = arith.constant 0 : i32
        %dma_start3A_312 = tpu.memref_slice %arg4[%add3A_304, %dma_start3A_311] : memref<737280x128xf32, #tpu.memory_space<hbm>> -> memref<128x128xf32, #tpu.memory_space<hbm>>
        %dma_start3A_313 = arith.constant 0 : i32
        %dma_start3A_314 = tpu.memref_slice %arg4[%add3A_304, %dma_start3A_313] : memref<737280x128xf32, #tpu.memory_space<hbm>> -> memref<128x128xf32, #tpu.memory_space<hbm>>
        %dma_start3A_315 = arith.constant 0 : i32
        %dma_start3A_316 = arith.constant 0 : i32
        %dma_start3A_317 = tpu.memref_slice %arg6[%run_scoped3A_305, %dma_start3A_315, %dma_start3A_316] : memref<5x128x128xf32, #tpu.memory_space<vmem>> -> memref<1x128x128xf32, #tpu.memory_space<vmem>>
        %dma_start3A_318 = tpu.memref_squeeze %dma_start3A_317 : memref<1x128x128xf32, #tpu.memory_space<vmem>> -> memref<128x128xf32, #tpu.memory_space<vmem>>
        tpu.enqueue_dma source(%dma_start3A_318 : memref<128x128xf32, #tpu.memory_space<vmem>>) target(%dma_start3A_314 : memref<128x128xf32, #tpu.memory_space<hbm>>) target_semaphore(%run_scoped3A_306 : memref<!tpu.dma_semaphore, #tpu.memory_space<semaphore_mem>>)
        %dma_wait3A_319 = arith.constant 0 : i32
        %dma_wait3A_320 = arith.constant 0 : i32
        %dma_wait3A_321 = tpu.memref_slice %arg6[%run_scoped3A_305, %dma_wait3A_319, %dma_wait3A_320] : memref<5x128x128xf32, #tpu.memory_space<vmem>> -> memref<1x128x128xf32, #tpu.memory_space<vmem>>
        %dma_wait3A_322 = tpu.memref_squeeze %dma_wait3A_321 : memref<1x128x128xf32, #tpu.memory_space<vmem>> -> memref<128x128xf32, #tpu.memory_space<vmem>>
        %dma_wait3A_323 = arith.constant 0 : i32
        %dma_wait3A_324 = tpu.memref_slice %arg4[%add3A_304, %dma_wait3A_323] : memref<737280x128xf32, #tpu.memory_space<hbm>> -> memref<128x128xf32, #tpu.memory_space<hbm>>
        %dma_wait3A_325 = arith.constant 0 : i32
        %dma_wait3A_326 = tpu.memref_slice %arg4[%add3A_304, %dma_wait3A_325] : memref<737280x128xf32, #tpu.memory_space<hbm>> -> memref<128x128xf32, #tpu.memory_space<hbm>>
        %dma_wait3A_327 = arith.constant 0 : i32
        %dma_wait3A_328 = arith.constant 0 : i32
        %dma_wait3A_329 = tpu.memref_slice %arg6[%run_scoped3A_305, %dma_wait3A_327, %dma_wait3A_328] : memref<5x128x128xf32, #tpu.memory_space<vmem>> -> memref<1x128x128xf32, #tpu.memory_space<vmem>>
        %dma_wait3A_330 = tpu.memref_squeeze %dma_wait3A_329 : memref<1x128x128xf32, #tpu.memory_space<vmem>> -> memref<128x128xf32, #tpu.memory_space<vmem>>
        tpu.wait_dma2 semaphore(%run_scoped3A_306 : memref<!tpu.dma_semaphore, #tpu.memory_space<semaphore_mem>>) src(%dma_wait3A_330 : memref<128x128xf32, #tpu.memory_space<vmem>>) dst(%dma_wait3A_326 : memref<128x128xf32, #tpu.memory_space<hbm>>)
        tpu.yield
      }) : () -> ()
    }
    %scan3A_42 = arith.constant 35 : i32
    %dma_wait3A = arith.constant 0 : i32
    %dma_wait3A_43 = arith.constant 0 : i32
    %dma_wait3A_44 = arith.constant 0 : i32
    %dma_wait3A_45 = arith.constant 0 : i32
    %dma_wait3A_46 = tpu.memref_slice %arg6[%dma_wait3A_43, %dma_wait3A_44, %dma_wait3A_45] : memref<5x128x128xf32, #tpu.memory_space<vmem>> -> memref<1x128x128xf32, #tpu.memory_space<vmem>>
    %dma_wait3A_47 = tpu.memref_squeeze %dma_wait3A_46 : memref<1x128x128xf32, #tpu.memory_space<vmem>> -> memref<128x128xf32, #tpu.memory_space<vmem>>
    %dma_wait3A_48 = arith.constant 0 : i32
    %dma_wait3A_49 = tpu.memref_slice %arg5[%dma_wait3A, %dma_wait3A_48] : memref<180x128xi32, #tpu.memory_space<vmem>> -> memref<1x128xi32, #tpu.memory_space<vmem>>
    %dma_wait3A_50 = tpu.memref_squeeze %dma_wait3A_49 : memref<1x128xi32, #tpu.memory_space<vmem>> -> memref<128xi32, #tpu.memory_space<vmem>>
    %dma_wait3A_51 = arith.constant 0 : i32
    %dma_wait3A_52 = arith.constant 0 : i32
    %dma_wait3A_53 = tpu.memref_slice %arg3[%dma_wait3A_51, %dma_wait3A_52] : memref<100000x128xf32, #tpu.memory_space<hbm>> -> memref<100000x128xf32, #tpu.memory_space<hbm>>
    tpu.wait_indirect_dma semaphore(%arg7 : memref<!tpu.dma_semaphore, #tpu.memory_space<semaphore_mem>>) src(%dma_wait3A_53 : memref<100000x128xf32, #tpu.memory_space<hbm>>) dst(%dma_wait3A_47 : memref<128x128xf32, #tpu.memory_space<vmem>>)
    %dma_start3A_54 = arith.constant 178 : i32
    %dma_start3A_55 = arith.constant 3 : i32
    %dma_start3A_56 = arith.constant 0 : i32
    %dma_start3A_57 = arith.constant 0 : i32
    %dma_start3A_58 = tpu.memref_slice %arg6[%dma_start3A_55, %dma_start3A_56, %dma_start3A_57] : memref<5x128x128xf32, #tpu.memory_space<vmem>> -> memref<1x128x128xf32, #tpu.memory_space<vmem>>
    %dma_start3A_59 = tpu.memref_squeeze %dma_start3A_58 : memref<1x128x128xf32, #tpu.memory_space<vmem>> -> memref<128x128xf32, #tpu.memory_space<vmem>>
    %dma_start3A_60 = arith.constant 0 : i32
    %dma_start3A_61 = tpu.memref_slice %arg5[%dma_start3A_54, %dma_start3A_60] : memref<180x128xi32, #tpu.memory_space<vmem>> -> memref<1x128xi32, #tpu.memory_space<vmem>>
    %dma_start3A_62 = tpu.memref_squeeze %dma_start3A_61 : memref<1x128xi32, #tpu.memory_space<vmem>> -> memref<128xi32, #tpu.memory_space<vmem>>
    %dma_start3A_63 = arith.constant 0 : i32
    %dma_start3A_64 = arith.constant 0 : i32
    %dma_start3A_65 = tpu.memref_slice %arg3[%dma_start3A_63, %dma_start3A_64] : memref<100000x128xf32, #tpu.memory_space<hbm>> -> memref<100000x128xf32, #tpu.memory_space<hbm>>
    tpu.enqueue_indirect_dma source(%dma_start3A_65 : memref<100000x128xf32, #tpu.memory_space<hbm>>) target(%dma_start3A_59 : memref<128x128xf32, #tpu.memory_space<vmem>>) offsets(%dma_start3A_62 : memref<128xi32, #tpu.memory_space<vmem>>) semaphore(%arg10 : memref<!tpu.dma_semaphore, #tpu.memory_space<semaphore_mem>>)
    %add3A_66 = arith.constant 22400 : i32
    %add3A_67 = arith.addi %mul3A_2, %add3A_66 : i32
    %run_scoped3A = arith.constant 0 : i32
    "tpu.region"() ({
      %run_scoped3A_140 = tpu.sem_alloc : memref<!tpu.dma_semaphore, #tpu.memory_space<semaphore_mem>>
      %dma_start3A_141 = arith.constant 0 : i32
      %dma_start3A_142 = arith.constant 0 : i32
      %dma_start3A_143 = tpu.memref_slice %arg6[%run_scoped3A, %dma_start3A_141, %dma_start3A_142] : memref<5x128x128xf32, #tpu.memory_space<vmem>> -> memref<1x128x128xf32, #tpu.memory_space<vmem>>
      %dma_start3A_144 = tpu.memref_squeeze %dma_start3A_143 : memref<1x128x128xf32, #tpu.memory_space<vmem>> -> memref<128x128xf32, #tpu.memory_space<vmem>>
      %dma_start3A_145 = arith.constant 0 : i32
      %dma_start3A_146 = tpu.memref_slice %arg4[%add3A_67, %dma_start3A_145] : memref<737280x128xf32, #tpu.memory_space<hbm>> -> memref<128x128xf32, #tpu.memory_space<hbm>>
      %dma_start3A_147 = arith.constant 0 : i32
      %dma_start3A_148 = tpu.memref_slice %arg4[%add3A_67, %dma_start3A_147] : memref<737280x128xf32, #tpu.memory_space<hbm>> -> memref<128x128xf32, #tpu.memory_space<hbm>>
      %dma_start3A_149 = arith.constant 0 : i32
      %dma_start3A_150 = arith.constant 0 : i32
      %dma_start3A_151 = tpu.memref_slice %arg6[%run_scoped3A, %dma_start3A_149, %dma_start3A_150] : memref<5x128x128xf32, #tpu.memory_space<vmem>> -> memref<1x128x128xf32, #tpu.memory_space<vmem>>
      %dma_start3A_152 = tpu.memref_squeeze %dma_start3A_151 : memref<1x128x128xf32, #tpu.memory_space<vmem>> -> memref<128x128xf32, #tpu.memory_space<vmem>>
      tpu.enqueue_dma source(%dma_start3A_152 : memref<128x128xf32, #tpu.memory_space<vmem>>) target(%dma_start3A_148 : memref<128x128xf32, #tpu.memory_space<hbm>>) target_semaphore(%run_scoped3A_140 : memref<!tpu.dma_semaphore, #tpu.memory_space<semaphore_mem>>)
      %dma_wait3A_153 = arith.constant 0 : i32
      %dma_wait3A_154 = arith.constant 0 : i32
      %dma_wait3A_155 = tpu.memref_slice %arg6[%run_scoped3A, %dma_wait3A_153, %dma_wait3A_154] : memref<5x128x128xf32, #tpu.memory_space<vmem>> -> memref<1x128x128xf32, #tpu.memory_space<vmem>>
      %dma_wait3A_156 = tpu.memref_squeeze %dma_wait3A_155 : memref<1x128x128xf32, #tpu.memory_space<vmem>> -> memref<128x128xf32, #tpu.memory_space<vmem>>
      %dma_wait3A_157 = arith.constant 0 : i32
      %dma_wait3A_158 = tpu.memref_slice %arg4[%add3A_67, %dma_wait3A_157] : memref<737280x128xf32, #tpu.memory_space<hbm>> -> memref<128x128xf32, #tpu.memory_space<hbm>>
      %dma_wait3A_159 = arith.constant 0 : i32
      %dma_wait3A_160 = tpu.memref_slice %arg4[%add3A_67, %dma_wait3A_159] : memref<737280x128xf32, #tpu.memory_space<hbm>> -> memref<128x128xf32, #tpu.memory_space<hbm>>
      %dma_wait3A_161 = arith.constant 0 : i32
      %dma_wait3A_162 = arith.constant 0 : i32
      %dma_wait3A_163 = tpu.memref_slice %arg6[%run_scoped3A, %dma_wait3A_161, %dma_wait3A_162] : memref<5x128x128xf32, #tpu.memory_space<vmem>> -> memref<1x128x128xf32, #tpu.memory_space<vmem>>
      %dma_wait3A_164 = tpu.memref_squeeze %dma_wait3A_163 : memref<1x128x128xf32, #tpu.memory_space<vmem>> -> memref<128x128xf32, #tpu.memory_space<vmem>>
      tpu.wait_dma2 semaphore(%run_scoped3A_140 : memref<!tpu.dma_semaphore, #tpu.memory_space<semaphore_mem>>) src(%dma_wait3A_164 : memref<128x128xf32, #tpu.memory_space<vmem>>) dst(%dma_wait3A_160 : memref<128x128xf32, #tpu.memory_space<hbm>>)
      tpu.yield
    }) : () -> ()
    %dma_wait3A_68 = arith.constant 0 : i32
    %dma_wait3A_69 = arith.constant 1 : i32
    %dma_wait3A_70 = arith.constant 0 : i32
    %dma_wait3A_71 = arith.constant 0 : i32
    %dma_wait3A_72 = tpu.memref_slice %arg6[%dma_wait3A_69, %dma_wait3A_70, %dma_wait3A_71] : memref<5x128x128xf32, #tpu.memory_space<vmem>> -> memref<1x128x128xf32, #tpu.memory_space<vmem>>
    %dma_wait3A_73 = tpu.memref_squeeze %dma_wait3A_72 : memref<1x128x128xf32, #tpu.memory_space<vmem>> -> memref<128x128xf32, #tpu.memory_space<vmem>>
    %dma_wait3A_74 = arith.constant 0 : i32
    %dma_wait3A_75 = tpu.memref_slice %arg5[%dma_wait3A_68, %dma_wait3A_74] : memref<180x128xi32, #tpu.memory_space<vmem>> -> memref<1x128xi32, #tpu.memory_space<vmem>>
    %dma_wait3A_76 = tpu.memref_squeeze %dma_wait3A_75 : memref<1x128xi32, #tpu.memory_space<vmem>> -> memref<128xi32, #tpu.memory_space<vmem>>
    %dma_wait3A_77 = arith.constant 0 : i32
    %dma_wait3A_78 = arith.constant 0 : i32
    %dma_wait3A_79 = tpu.memref_slice %arg3[%dma_wait3A_77, %dma_wait3A_78] : memref<100000x128xf32, #tpu.memory_space<hbm>> -> memref<100000x128xf32, #tpu.memory_space<hbm>>
    tpu.wait_indirect_dma semaphore(%arg8 : memref<!tpu.dma_semaphore, #tpu.memory_space<semaphore_mem>>) src(%dma_wait3A_79 : memref<100000x128xf32, #tpu.memory_space<hbm>>) dst(%dma_wait3A_73 : memref<128x128xf32, #tpu.memory_space<vmem>>)
    %dma_start3A_80 = arith.constant 179 : i32
    %dma_start3A_81 = arith.constant 4 : i32
    %dma_start3A_82 = arith.constant 0 : i32
    %dma_start3A_83 = arith.constant 0 : i32
    %dma_start3A_84 = tpu.memref_slice %arg6[%dma_start3A_81, %dma_start3A_82, %dma_start3A_83] : memref<5x128x128xf32, #tpu.memory_space<vmem>> -> memref<1x128x128xf32, #tpu.memory_space<vmem>>
    %dma_start3A_85 = tpu.memref_squeeze %dma_start3A_84 : memref<1x128x128xf32, #tpu.memory_space<vmem>> -> memref<128x128xf32, #tpu.memory_space<vmem>>
    %dma_start3A_86 = arith.constant 0 : i32
    %dma_start3A_87 = tpu.memref_slice %arg5[%dma_start3A_80, %dma_start3A_86] : memref<180x128xi32, #tpu.memory_space<vmem>> -> memref<1x128xi32, #tpu.memory_space<vmem>>
    %dma_start3A_88 = tpu.memref_squeeze %dma_start3A_87 : memref<1x128xi32, #tpu.memory_space<vmem>> -> memref<128xi32, #tpu.memory_space<vmem>>
    %dma_start3A_89 = arith.constant 0 : i32
    %dma_start3A_90 = arith.constant 0 : i32
    %dma_start3A_91 = tpu.memref_slice %arg3[%dma_start3A_89, %dma_start3A_90] : memref<100000x128xf32, #tpu.memory_space<hbm>> -> memref<100000x128xf32, #tpu.memory_space<hbm>>
    tpu.enqueue_indirect_dma source(%dma_start3A_91 : memref<100000x128xf32, #tpu.memory_space<hbm>>) target(%dma_start3A_85 : memref<128x128xf32, #tpu.memory_space<vmem>>) offsets(%dma_start3A_88 : memref<128xi32, #tpu.memory_space<vmem>>) semaphore(%arg11 : memref<!tpu.dma_semaphore, #tpu.memory_space<semaphore_mem>>)
    %add3A_92 = arith.constant 22528 : i32
    %add3A_93 = arith.addi %mul3A_2, %add3A_92 : i32
    %run_scoped3A_94 = arith.constant 1 : i32
    "tpu.region"() ({
      %run_scoped3A_140 = tpu.sem_alloc : memref<!tpu.dma_semaphore, #tpu.memory_space<semaphore_mem>>
      %dma_start3A_141 = arith.constant 0 : i32
      %dma_start3A_142 = arith.constant 0 : i32
      %dma_start3A_143 = tpu.memref_slice %arg6[%run_scoped3A_94, %dma_start3A_141, %dma_start3A_142] : memref<5x128x128xf32, #tpu.memory_space<vmem>> -> memref<1x128x128xf32, #tpu.memory_space<vmem>>
      %dma_start3A_144 = tpu.memref_squeeze %dma_start3A_143 : memref<1x128x128xf32, #tpu.memory_space<vmem>> -> memref<128x128xf32, #tpu.memory_space<vmem>>
      %dma_start3A_145 = arith.constant 0 : i32
      %dma_start3A_146 = tpu.memref_slice %arg4[%add3A_93, %dma_start3A_145] : memref<737280x128xf32, #tpu.memory_space<hbm>> -> memref<128x128xf32, #tpu.memory_space<hbm>>
      %dma_start3A_147 = arith.constant 0 : i32
      %dma_start3A_148 = tpu.memref_slice %arg4[%add3A_93, %dma_start3A_147] : memref<737280x128xf32, #tpu.memory_space<hbm>> -> memref<128x128xf32, #tpu.memory_space<hbm>>
      %dma_start3A_149 = arith.constant 0 : i32
      %dma_start3A_150 = arith.constant 0 : i32
      %dma_start3A_151 = tpu.memref_slice %arg6[%run_scoped3A_94, %dma_start3A_149, %dma_start3A_150] : memref<5x128x128xf32, #tpu.memory_space<vmem>> -> memref<1x128x128xf32, #tpu.memory_space<vmem>>
      %dma_start3A_152 = tpu.memref_squeeze %dma_start3A_151 : memref<1x128x128xf32, #tpu.memory_space<vmem>> -> memref<128x128xf32, #tpu.memory_space<vmem>>
      tpu.enqueue_dma source(%dma_start3A_152 : memref<128x128xf32, #tpu.memory_space<vmem>>) target(%dma_start3A_148 : memref<128x128xf32, #tpu.memory_space<hbm>>) target_semaphore(%run_scoped3A_140 : memref<!tpu.dma_semaphore, #tpu.memory_space<semaphore_mem>>)
      %dma_wait3A_153 = arith.constant 0 : i32
      %dma_wait3A_154 = arith.constant 0 : i32
      %dma_wait3A_155 = tpu.memref_slice %arg6[%run_scoped3A_94, %dma_wait3A_153, %dma_wait3A_154] : memref<5x128x128xf32, #tpu.memory_space<vmem>> -> memref<1x128x128xf32, #tpu.memory_space<vmem>>
      %dma_wait3A_156 = tpu.memref_squeeze %dma_wait3A_155 : memref<1x128x128xf32, #tpu.memory_space<vmem>> -> memref<128x128xf32, #tpu.memory_space<vmem>>
      %dma_wait3A_157 = arith.constant 0 : i32
      %dma_wait3A_158 = tpu.memref_slice %arg4[%add3A_93, %dma_wait3A_157] : memref<737280x128xf32, #tpu.memory_space<hbm>> -> memref<128x128xf32, #tpu.memory_space<hbm>>
      %dma_wait3A_159 = arith.constant 0 : i32
      %dma_wait3A_160 = tpu.memref_slice %arg4[%add3A_93, %dma_wait3A_159] : memref<737280x128xf32, #tpu.memory_space<hbm>> -> memref<128x128xf32, #tpu.memory_space<hbm>>
      %dma_wait3A_161 = arith.constant 0 : i32
      %dma_wait3A_162 = arith.constant 0 : i32
      %dma_wait3A_163 = tpu.memref_slice %arg6[%run_scoped3A_94, %dma_wait3A_161, %dma_wait3A_162] : memref<5x128x128xf32, #tpu.memory_space<vmem>> -> memref<1x128x128xf32, #tpu.memory_space<vmem>>
      %dma_wait3A_164 = tpu.memref_squeeze %dma_wait3A_163 : memref<1x128x128xf32, #tpu.memory_space<vmem>> -> memref<128x128xf32, #tpu.memory_space<vmem>>
      tpu.wait_dma2 semaphore(%run_scoped3A_140 : memref<!tpu.dma_semaphore, #tpu.memory_space<semaphore_mem>>) src(%dma_wait3A_164 : memref<128x128xf32, #tpu.memory_space<vmem>>) dst(%dma_wait3A_160 : memref<128x128xf32, #tpu.memory_space<hbm>>)
      tpu.yield
    }) : () -> ()
    %dma_wait3A_95 = arith.constant 0 : i32
    %dma_wait3A_96 = arith.constant 2 : i32
    %dma_wait3A_97 = arith.constant 0 : i32
    %dma_wait3A_98 = arith.constant 0 : i32
    %dma_wait3A_99 = tpu.memref_slice %arg6[%dma_wait3A_96, %dma_wait3A_97, %dma_wait3A_98] : memref<5x128x128xf32, #tpu.memory_space<vmem>> -> memref<1x128x128xf32, #tpu.memory_space<vmem>>
    %dma_wait3A_100 = tpu.memref_squeeze %dma_wait3A_99 : memref<1x128x128xf32, #tpu.memory_space<vmem>> -> memref<128x128xf32, #tpu.memory_space<vmem>>
    %dma_wait3A_101 = arith.constant 0 : i32
    %dma_wait3A_102 = tpu.memref_slice %arg5[%dma_wait3A_95, %dma_wait3A_101] : memref<180x128xi32, #tpu.memory_space<vmem>> -> memref<1x128xi32, #tpu.memory_space<vmem>>
    %dma_wait3A_103 = tpu.memref_squeeze %dma_wait3A_102 : memref<1x128xi32, #tpu.memory_space<vmem>> -> memref<128xi32, #tpu.memory_space<vmem>>
    %dma_wait3A_104 = arith.constant 0 : i32
    %dma_wait3A_105 = arith.constant 0 : i32
    %dma_wait3A_106 = tpu.memref_slice %arg3[%dma_wait3A_104, %dma_wait3A_105] : memref<100000x128xf32, #tpu.memory_space<hbm>> -> memref<100000x128xf32, #tpu.memory_space<hbm>>
    tpu.wait_indirect_dma semaphore(%arg9 : memref<!tpu.dma_semaphore, #tpu.memory_space<semaphore_mem>>) src(%dma_wait3A_106 : memref<100000x128xf32, #tpu.memory_space<hbm>>) dst(%dma_wait3A_100 : memref<128x128xf32, #tpu.memory_space<vmem>>)
    %add3A_107 = arith.constant 22656 : i32
    %add3A_108 = arith.addi %mul3A_2, %add3A_107 : i32
    %run_scoped3A_109 = arith.constant 2 : i32
    "tpu.region"() ({
      %run_scoped3A_140 = tpu.sem_alloc : memref<!tpu.dma_semaphore, #tpu.memory_space<semaphore_mem>>
      %dma_start3A_141 = arith.constant 0 : i32
      %dma_start3A_142 = arith.constant 0 : i32
      %dma_start3A_143 = tpu.memref_slice %arg6[%run_scoped3A_109, %dma_start3A_141, %dma_start3A_142] : memref<5x128x128xf32, #tpu.memory_space<vmem>> -> memref<1x128x128xf32, #tpu.memory_space<vmem>>
      %dma_start3A_144 = tpu.memref_squeeze %dma_start3A_143 : memref<1x128x128xf32, #tpu.memory_space<vmem>> -> memref<128x128xf32, #tpu.memory_space<vmem>>
      %dma_start3A_145 = arith.constant 0 : i32
      %dma_start3A_146 = tpu.memref_slice %arg4[%add3A_108, %dma_start3A_145] : memref<737280x128xf32, #tpu.memory_space<hbm>> -> memref<128x128xf32, #tpu.memory_space<hbm>>
      %dma_start3A_147 = arith.constant 0 : i32
      %dma_start3A_148 = tpu.memref_slice %arg4[%add3A_108, %dma_start3A_147] : memref<737280x128xf32, #tpu.memory_space<hbm>> -> memref<128x128xf32, #tpu.memory_space<hbm>>
      %dma_start3A_149 = arith.constant 0 : i32
      %dma_start3A_150 = arith.constant 0 : i32
      %dma_start3A_151 = tpu.memref_slice %arg6[%run_scoped3A_109, %dma_start3A_149, %dma_start3A_150] : memref<5x128x128xf32, #tpu.memory_space<vmem>> -> memref<1x128x128xf32, #tpu.memory_space<vmem>>
      %dma_start3A_152 = tpu.memref_squeeze %dma_start3A_151 : memref<1x128x128xf32, #tpu.memory_space<vmem>> -> memref<128x128xf32, #tpu.memory_space<vmem>>
      tpu.enqueue_dma source(%dma_start3A_152 : memref<128x128xf32, #tpu.memory_space<vmem>>) target(%dma_start3A_148 : memref<128x128xf32, #tpu.memory_space<hbm>>) target_semaphore(%run_scoped3A_140 : memref<!tpu.dma_semaphore, #tpu.memory_space<semaphore_mem>>)
      %dma_wait3A_153 = arith.constant 0 : i32
      %dma_wait3A_154 = arith.constant 0 : i32
      %dma_wait3A_155 = tpu.memref_slice %arg6[%run_scoped3A_109, %dma_wait3A_153, %dma_wait3A_154] : memref<5x128x128xf32, #tpu.memory_space<vmem>> -> memref<1x128x128xf32, #tpu.memory_space<vmem>>
      %dma_wait3A_156 = tpu.memref_squeeze %dma_wait3A_155 : memref<1x128x128xf32, #tpu.memory_space<vmem>> -> memref<128x128xf32, #tpu.memory_space<vmem>>
      %dma_wait3A_157 = arith.constant 0 : i32
      %dma_wait3A_158 = tpu.memref_slice %arg4[%add3A_108, %dma_wait3A_157] : memref<737280x128xf32, #tpu.memory_space<hbm>> -> memref<128x128xf32, #tpu.memory_space<hbm>>
      %dma_wait3A_159 = arith.constant 0 : i32
      %dma_wait3A_160 = tpu.memref_slice %arg4[%add3A_108, %dma_wait3A_159] : memref<737280x128xf32, #tpu.memory_space<hbm>> -> memref<128x128xf32, #tpu.memory_space<hbm>>
      %dma_wait3A_161 = arith.constant 0 : i32
      %dma_wait3A_162 = arith.constant 0 : i32
      %dma_wait3A_163 = tpu.memref_slice %arg6[%run_scoped3A_109, %dma_wait3A_161, %dma_wait3A_162] : memref<5x128x128xf32, #tpu.memory_space<vmem>> -> memref<1x128x128xf32, #tpu.memory_space<vmem>>
      %dma_wait3A_164 = tpu.memref_squeeze %dma_wait3A_163 : memref<1x128x128xf32, #tpu.memory_space<vmem>> -> memref<128x128xf32, #tpu.memory_space<vmem>>
      tpu.wait_dma2 semaphore(%run_scoped3A_140 : memref<!tpu.dma_semaphore, #tpu.memory_space<semaphore_mem>>) src(%dma_wait3A_164 : memref<128x128xf32, #tpu.memory_space<vmem>>) dst(%dma_wait3A_160 : memref<128x128xf32, #tpu.memory_space<hbm>>)
      tpu.yield
    }) : () -> ()
    %dma_wait3A_110 = arith.constant 0 : i32
    %dma_wait3A_111 = arith.constant 3 : i32
    %dma_wait3A_112 = arith.constant 0 : i32
    %dma_wait3A_113 = arith.constant 0 : i32
    %dma_wait3A_114 = tpu.memref_slice %arg6[%dma_wait3A_111, %dma_wait3A_112, %dma_wait3A_113] : memref<5x128x128xf32, #tpu.memory_space<vmem>> -> memref<1x128x128xf32, #tpu.memory_space<vmem>>
    %dma_wait3A_115 = tpu.memref_squeeze %dma_wait3A_114 : memref<1x128x128xf32, #tpu.memory_space<vmem>> -> memref<128x128xf32, #tpu.memory_space<vmem>>
    %dma_wait3A_116 = arith.constant 0 : i32
    %dma_wait3A_117 = tpu.memref_slice %arg5[%dma_wait3A_110, %dma_wait3A_116] : memref<180x128xi32, #tpu.memory_space<vmem>> -> memref<1x128xi32, #tpu.memory_space<vmem>>
    %dma_wait3A_118 = tpu.memref_squeeze %dma_wait3A_117 : memref<1x128xi32, #tpu.memory_space<vmem>> -> memref<128xi32, #tpu.memory_space<vmem>>
    %dma_wait3A_119 = arith.constant 0 : i32
    %dma_wait3A_120 = arith.constant 0 : i32
    %dma_wait3A_121 = tpu.memref_slice %arg3[%dma_wait3A_119, %dma_wait3A_120] : memref<100000x128xf32, #tpu.memory_space<hbm>> -> memref<100000x128xf32, #tpu.memory_space<hbm>>
    tpu.wait_indirect_dma semaphore(%arg10 : memref<!tpu.dma_semaphore, #tpu.memory_space<semaphore_mem>>) src(%dma_wait3A_121 : memref<100000x128xf32, #tpu.memory_space<hbm>>) dst(%dma_wait3A_115 : memref<128x128xf32, #tpu.memory_space<vmem>>)
    %add3A_122 = arith.constant 22784 : i32
    %add3A_123 = arith.addi %mul3A_2, %add3A_122 : i32
    %run_scoped3A_124 = arith.constant 3 : i32
    "tpu.region"() ({
      %run_scoped3A_140 = tpu.sem_alloc : memref<!tpu.dma_semaphore, #tpu.memory_space<semaphore_mem>>
      %dma_start3A_141 = arith.constant 0 : i32
      %dma_start3A_142 = arith.constant 0 : i32
      %dma_start3A_143 = tpu.memref_slice %arg6[%run_scoped3A_124, %dma_start3A_141, %dma_start3A_142] : memref<5x128x128xf32, #tpu.memory_space<vmem>> -> memref<1x128x128xf32, #tpu.memory_space<vmem>>
      %dma_start3A_144 = tpu.memref_squeeze %dma_start3A_143 : memref<1x128x128xf32, #tpu.memory_space<vmem>> -> memref<128x128xf32, #tpu.memory_space<vmem>>
      %dma_start3A_145 = arith.constant 0 : i32
      %dma_start3A_146 = tpu.memref_slice %arg4[%add3A_123, %dma_start3A_145] : memref<737280x128xf32, #tpu.memory_space<hbm>> -> memref<128x128xf32, #tpu.memory_space<hbm>>
      %dma_start3A_147 = arith.constant 0 : i32
      %dma_start3A_148 = tpu.memref_slice %arg4[%add3A_123, %dma_start3A_147] : memref<737280x128xf32, #tpu.memory_space<hbm>> -> memref<128x128xf32, #tpu.memory_space<hbm>>
      %dma_start3A_149 = arith.constant 0 : i32
      %dma_start3A_150 = arith.constant 0 : i32
      %dma_start3A_151 = tpu.memref_slice %arg6[%run_scoped3A_124, %dma_start3A_149, %dma_start3A_150] : memref<5x128x128xf32, #tpu.memory_space<vmem>> -> memref<1x128x128xf32, #tpu.memory_space<vmem>>
      %dma_start3A_152 = tpu.memref_squeeze %dma_start3A_151 : memref<1x128x128xf32, #tpu.memory_space<vmem>> -> memref<128x128xf32, #tpu.memory_space<vmem>>
      tpu.enqueue_dma source(%dma_start3A_152 : memref<128x128xf32, #tpu.memory_space<vmem>>) target(%dma_start3A_148 : memref<128x128xf32, #tpu.memory_space<hbm>>) target_semaphore(%run_scoped3A_140 : memref<!tpu.dma_semaphore, #tpu.memory_space<semaphore_mem>>)
      %dma_wait3A_153 = arith.constant 0 : i32
      %dma_wait3A_154 = arith.constant 0 : i32
      %dma_wait3A_155 = tpu.memref_slice %arg6[%run_scoped3A_124, %dma_wait3A_153, %dma_wait3A_154] : memref<5x128x128xf32, #tpu.memory_space<vmem>> -> memref<1x128x128xf32, #tpu.memory_space<vmem>>
      %dma_wait3A_156 = tpu.memref_squeeze %dma_wait3A_155 : memref<1x128x128xf32, #tpu.memory_space<vmem>> -> memref<128x128xf32, #tpu.memory_space<vmem>>
      %dma_wait3A_157 = arith.constant 0 : i32
      %dma_wait3A_158 = tpu.memref_slice %arg4[%add3A_123, %dma_wait3A_157] : memref<737280x128xf32, #tpu.memory_space<hbm>> -> memref<128x128xf32, #tpu.memory_space<hbm>>
      %dma_wait3A_159 = arith.constant 0 : i32
      %dma_wait3A_160 = tpu.memref_slice %arg4[%add3A_123, %dma_wait3A_159] : memref<737280x128xf32, #tpu.memory_space<hbm>> -> memref<128x128xf32, #tpu.memory_space<hbm>>
      %dma_wait3A_161 = arith.constant 0 : i32
      %dma_wait3A_162 = arith.constant 0 : i32
      %dma_wait3A_163 = tpu.memref_slice %arg6[%run_scoped3A_124, %dma_wait3A_161, %dma_wait3A_162] : memref<5x128x128xf32, #tpu.memory_space<vmem>> -> memref<1x128x128xf32, #tpu.memory_space<vmem>>
      %dma_wait3A_164 = tpu.memref_squeeze %dma_wait3A_163 : memref<1x128x128xf32, #tpu.memory_space<vmem>> -> memref<128x128xf32, #tpu.memory_space<vmem>>
      tpu.wait_dma2 semaphore(%run_scoped3A_140 : memref<!tpu.dma_semaphore, #tpu.memory_space<semaphore_mem>>) src(%dma_wait3A_164 : memref<128x128xf32, #tpu.memory_space<vmem>>) dst(%dma_wait3A_160 : memref<128x128xf32, #tpu.memory_space<hbm>>)
      tpu.yield
    }) : () -> ()
    %dma_wait3A_125 = arith.constant 0 : i32
    %dma_wait3A_126 = arith.constant 4 : i32
    %dma_wait3A_127 = arith.constant 0 : i32
    %dma_wait3A_128 = arith.constant 0 : i32
    %dma_wait3A_129 = tpu.memref_slice %arg6[%dma_wait3A_126, %dma_wait3A_127, %dma_wait3A_128] : memref<5x128x128xf32, #tpu.memory_space<vmem>> -> memref<1x128x128xf32, #tpu.memory_space<vmem>>
    %dma_wait3A_130 = tpu.memref_squeeze %dma_wait3A_129 : memref<1x128x128xf32, #tpu.memory_space<vmem>> -> memref<128x128xf32, #tpu.memory_space<vmem>>
    %dma_wait3A_131 = arith.constant 0 : i32
    %dma_wait3A_132 = tpu.memref_slice %arg5[%dma_wait3A_125, %dma_wait3A_131] : memref<180x128xi32, #tpu.memory_space<vmem>> -> memref<1x128xi32, #tpu.memory_space<vmem>>
    %dma_wait3A_133 = tpu.memref_squeeze %dma_wait3A_132 : memref<1x128xi32, #tpu.memory_space<vmem>> -> memref<128xi32, #tpu.memory_space<vmem>>
    %dma_wait3A_134 = arith.constant 0 : i32
    %dma_wait3A_135 = arith.constant 0 : i32
    %dma_wait3A_136 = tpu.memref_slice %arg3[%dma_wait3A_134, %dma_wait3A_135] : memref<100000x128xf32, #tpu.memory_space<hbm>> -> memref<100000x128xf32, #tpu.memory_space<hbm>>
    tpu.wait_indirect_dma semaphore(%arg11 : memref<!tpu.dma_semaphore, #tpu.memory_space<semaphore_mem>>) src(%dma_wait3A_136 : memref<100000x128xf32, #tpu.memory_space<hbm>>) dst(%dma_wait3A_130 : memref<128x128xf32, #tpu.memory_space<vmem>>)
    %add3A_137 = arith.constant 22912 : i32
    %add3A_138 = arith.addi %mul3A_2, %add3A_137 : i32
    %run_scoped3A_139 = arith.constant 4 : i32
    "tpu.region"() ({
      %run_scoped3A_140 = tpu.sem_alloc : memref<!tpu.dma_semaphore, #tpu.memory_space<semaphore_mem>>
      %dma_start3A_141 = arith.constant 0 : i32
      %dma_start3A_142 = arith.constant 0 : i32
      %dma_start3A_143 = tpu.memref_slice %arg6[%run_scoped3A_139, %dma_start3A_141, %dma_start3A_142] : memref<5x128x128xf32, #tpu.memory_space<vmem>> -> memref<1x128x128xf32, #tpu.memory_space<vmem>>
      %dma_start3A_144 = tpu.memref_squeeze %dma_start3A_143 : memref<1x128x128xf32, #tpu.memory_space<vmem>> -> memref<128x128xf32, #tpu.memory_space<vmem>>
      %dma_start3A_145 = arith.constant 0 : i32
      %dma_start3A_146 = tpu.memref_slice %arg4[%add3A_138, %dma_start3A_145] : memref<737280x128xf32, #tpu.memory_space<hbm>> -> memref<128x128xf32, #tpu.memory_space<hbm>>
      %dma_start3A_147 = arith.constant 0 : i32
      %dma_start3A_148 = tpu.memref_slice %arg4[%add3A_138, %dma_start3A_147] : memref<737280x128xf32, #tpu.memory_space<hbm>> -> memref<128x128xf32, #tpu.memory_space<hbm>>
      %dma_start3A_149 = arith.constant 0 : i32
      %dma_start3A_150 = arith.constant 0 : i32
      %dma_start3A_151 = tpu.memref_slice %arg6[%run_scoped3A_139, %dma_start3A_149, %dma_start3A_150] : memref<5x128x128xf32, #tpu.memory_space<vmem>> -> memref<1x128x128xf32, #tpu.memory_space<vmem>>
      %dma_start3A_152 = tpu.memref_squeeze %dma_start3A_151 : memref<1x128x128xf32, #tpu.memory_space<vmem>> -> memref<128x128xf32, #tpu.memory_space<vmem>>
      tpu.enqueue_dma source(%dma_start3A_152 : memref<128x128xf32, #tpu.memory_space<vmem>>) target(%dma_start3A_148 : memref<128x128xf32, #tpu.memory_space<hbm>>) target_semaphore(%run_scoped3A_140 : memref<!tpu.dma_semaphore, #tpu.memory_space<semaphore_mem>>)
      %dma_wait3A_153 = arith.constant 0 : i32
      %dma_wait3A_154 = arith.constant 0 : i32
      %dma_wait3A_155 = tpu.memref_slice %arg6[%run_scoped3A_139, %dma_wait3A_153, %dma_wait3A_154] : memref<5x128x128xf32, #tpu.memory_space<vmem>> -> memref<1x128x128xf32, #tpu.memory_space<vmem>>
      %dma_wait3A_156 = tpu.memref_squeeze %dma_wait3A_155 : memref<1x128x128xf32, #tpu.memory_space<vmem>> -> memref<128x128xf32, #tpu.memory_space<vmem>>
      %dma_wait3A_157 = arith.constant 0 : i32
      %dma_wait3A_158 = tpu.memref_slice %arg4[%add3A_138, %dma_wait3A_157] : memref<737280x128xf32, #tpu.memory_space<hbm>> -> memref<128x128xf32, #tpu.memory_space<hbm>>
      %dma_wait3A_159 = arith.constant 0 : i32
      %dma_wait3A_160 = tpu.memref_slice %arg4[%add3A_138, %dma_wait3A_159] : memref<737280x128xf32, #tpu.memory_space<hbm>> -> memref<128x128xf32, #tpu.memory_space<hbm>>
      %dma_wait3A_161 = arith.constant 0 : i32
      %dma_wait3A_162 = arith.constant 0 : i32
      %dma_wait3A_163 = tpu.memref_slice %arg6[%run_scoped3A_139, %dma_wait3A_161, %dma_wait3A_162] : memref<5x128x128xf32, #tpu.memory_space<vmem>> -> memref<1x128x128xf32, #tpu.memory_space<vmem>>
      %dma_wait3A_164 = tpu.memref_squeeze %dma_wait3A_163 : memref<1x128x128xf32, #tpu.memory_space<vmem>> -> memref<128x128xf32, #tpu.memory_space<vmem>>
      tpu.wait_dma2 semaphore(%run_scoped3A_140 : memref<!tpu.dma_semaphore, #tpu.memory_space<semaphore_mem>>) src(%dma_wait3A_164 : memref<128x128xf32, #tpu.memory_space<vmem>>) dst(%dma_wait3A_160 : memref<128x128xf32, #tpu.memory_space<hbm>>)
      tpu.yield
    }) : () -> ()
    return
  }
}

</mosaic_0001>

<sc_bundles>
// kernel: _run.3.cloned.1.call-start
scs
__scs_entry_jumppad:
0x0: {  	(pc) =	sbr.rel $0x88, $3  }
0x1: {  	(tag) =	ssettag $0x0;
	lr =	simm.s32 $0x1  }
0x2: {  	[smem:$0x3F9F] =	sst lr;
	_ =	strace $0xD0000000  }
0x3: {  	_ = 	snop  }
0x4: {  	_ = 	snop  }
0x5: {  	_ = 	snop  }
0x6: {  	_ = 	snop  }
0x7: {  	_ = 	snop  }
__scs_overlays_trampoline_lowered:
0x8: {  	[smem:$0x3FAE] =	sst s0  }
0x9: {  	[smem:$0x3FAF] =	sst s1  }
0xa: {  	[smem:$0x3FB0] =	sst s2  }
0xb: {  	[smem:$0x3FB1] =	sst s3  }
0xc: {  	[smem:$0x3FB2] =	sst s4  }
0xd: {  	[smem:$0x3FB3] =	sst s5  }
0xe: {  	[smem:$0x3FB4] =	sst s6  }
0xf: {  	[smem:$0x3FB5] =	sst s7  }
0x10: {  	[smem:$0x3FB6] =	sst s8  }
0x11: {  	[smem:$0x3FB7] =	sst s9;
	s0 =	simm.s32 @!p0 $0x0  }
0x12: {  	s1 =	sld [smem:$0x3F9D];
	s0 =	simm.s32 @p0 $0x1  }
0x13: {  	[smem:$0x3FB8] =	sst s0;
	s0 =	simm.s32 @!p1 $0x0  }
0x14: {  	s2 =	sld [smem:$0x3F9C];
	s0 =	simm.s32 @p1 $0x1  }
0x15: {  	[smem:$0x3FB9] =	sst s0;
	s0 =	simm.s32 @!p2 $0x0  }
0x16: {  	s3 =	sld [smem:$0x3FDB];
	s0 =	simm.s32 @p2 $0x1  }
0x17: {  	s4 =	simm.s32 $0x1BF5;
	[smem:$0x3FBB] =	sst s0  }
0x18: {  	s0 =	sld [smem:$0x3F9E];
	_ =	swait.ge [sflag:s4], $0x0  }
0x19: {  	s7 =	sld [smem:$0x3F9F]  }
0x1a: {  	s8 =	sadd.s32 $0xFFFFE003, lr  }
0x1b: {  	s9 =	sadd.s32 $0xFFFFFEF7, lr;
	s5 =	simm.s32 $0xFFFFFFFF;
	p2 =	slt.u32 s8, $0xFFFFF086  }
0x1c: {  	p1 =	slt.u32 s9, $0xF7A;
	s5 =	simm.s32 @!p2 $0x0  }
0x1d: {  	s5 =	simm.s32 @p1 $0x1;
	p0 =	seq.s32 s7, s2  }
0x1e: {  	s7 =	smul.u32 @!p0 $0xF7A, s2;
	p2 =	seq.s32 @!p0 s5, $0x0  }
0x1f: {  	s9 =	smul.u32 $0xF7A, s1;
	s8 =	simm.s32 @!p0 $0x1BF5;
	p2 =	por !p2, p0  }
0x20: {  	[sflag:s8] =	ssyncset.s32 @!p0 $0xFFFFF086;
	s6 =	sadd.s32 @!p0 s3, s7;
	s7 =	simm.s32 @!p0 $0x108  }
0x21: {  	s3 =	sadd.s32 s3, s9;
	s6 =	sadd.s32 @!p0 $0x88, s6;
	s7 =	simm.s32 @p2 $0x1082  }
0x22: {  	[simem:s7], [sflag:s8] =	dma.local @!p0 [hbm:s6], $0xF7A  }
0x23: {  	s9 =	sor.u32 $0xD0000000, s2;
	s6 =	simm.s32 $0x108;
	_ =	swait.ge @!p0 [sflag:s8], $0x0  }
0x24: {  	s3 =	sadd.s32 $0x88, s3;
	s6 =	simm.s32 @!p1 $0x1082;
	[sflag:s4] =	ssyncset.s32 $0xFFFFF086  }
0x25: {  	[simem:s6], [sflag:s4] =	dma.local [hbm:s3], $0xF7A  }
0x26: {  	[smem:$0x3F9F] =	sst s1;
	(tag) =	ssettag s2;
	_ =	strace s9  }
0x27: {  	s1 =	sld [smem:$0x3FAF]  }
0x28: {  	s2 =	sld [smem:$0x3FB0]  }
0x29: {  	s4 =	sld [smem:$0x3FB2]  }
0x2a: {  	p0 =	seq.s32 s5, $0x0;
	s5 =	sld [smem:$0x3FB3]  }
0x2b: {  	s6 =	sld [smem:$0x3FB4]  }
0x2c: {  	s7 =	sld [smem:$0x3FB5]  }
0x2d: {  	s3 =	simm.s32 $0x108;
	s8 =	sld [smem:$0x3FB6]  }
0x2e: {  	s3 =	simm.s32 @!p0 $0x1082;
	s9 =	sld [smem:$0x3FB7]  }
0x2f: {  	lr =	sadd.s32 s0, s3;
	s0 =	sld [smem:$0x3FAE]  }
0x30: {  	s3 =	sld [smem:$0x3FB1]  }
0x31: {  	[smem:$0x3FBA] =	sst s10  }
0x32: {  	s10 =	sld [smem:$0x3FB8];
	_ =	sdelay $0x3  }
0x33: {  	p0 =	seq.s32 s10, $0x1;
	s10 =	sld [smem:$0x3FBA];
	_ =	sdelay $0x3  }
0x34: {  	[smem:$0x3FBA] =	sst s10  }
0x35: {  	s10 =	sld [smem:$0x3FB9];
	_ =	sdelay $0x3  }
0x36: {  	p1 =	seq.s32 s10, $0x1;
	s10 =	sld [smem:$0x3FBA];
	_ =	sdelay $0x3  }
0x37: {  	[smem:$0x3FBA] =	sst s10  }
0x38: {  	s10 =	sld [smem:$0x3FBB]  }
0x39: {  	_ = 	snop;
	(pc) =	sbr.ind lr, $3  }
0x3a: {  	_ = 	snop  }
0x3b: {  	_ = 	snop  }
0x3c: {  	p2 =	seq.s32 s10, $0x1;
	s10 =	sld [smem:$0x3FBA]  }
0x3d: {  	_ =	shalt  }
0x3e: {  	_ =	shalt  }
0x3f: {  	_ =	shalt  }
0x40: {  	_ =	shalt  }
0x41: {  	_ =	shalt  }
0x42: {  	_ =	shalt  }
0x43: {  	_ =	shalt  }
0x44: {  	_ =	shalt  }
0x45: {  	_ =	shalt  }
0x46: {  	_ =	shalt  }
0x47: {  	_ =	shalt  }
0x48: {  	_ =	shalt  }
0x49: {  	_ =	shalt  }
0x4a: {  	_ =	shalt  }
0x4b: {  	_ =	shalt  }
0x4c: {  	_ =	shalt  }
0x4d: {  	_ =	shalt  }
0x4e: {  	_ =	shalt  }
0x4f: {  	_ =	shalt  }
0x50: {  	_ =	shalt  }
0x51: {  	_ =	shalt  }
0x52: {  	_ =	shalt  }
0x53: {  	_ =	shalt  }
0x54: {  	_ =	shalt  }
0x55: {  	_ =	shalt  }
0x56: {  	_ =	shalt  }
0x57: {  	_ =	shalt  }
0x58: {  	_ =	shalt  }
0x59: {  	_ =	shalt  }
0x5a: {  	_ =	shalt  }
0x5b: {  	_ =	shalt  }
0x5c: {  	_ =	shalt  }
0x5d: {  	_ =	shalt  }
0x5e: {  	_ =	shalt  }
0x5f: {  	_ =	shalt  }
0x60: {  	_ =	shalt  }
0x61: {  	_ =	shalt  }
0x62: {  	_ =	shalt  }
0x63: {  	_ =	shalt  }
0x64: {  	_ =	shalt  }
0x65: {  	_ =	shalt  }
0x66: {  	_ =	shalt  }
0x67: {  	_ =	shalt  }
0x68: {  	_ =	shalt  }
0x69: {  	_ =	shalt  }
0x6a: {  	_ =	shalt  }
0x6b: {  	_ =	shalt  }
0x6c: {  	_ =	shalt  }
0x6d: {  	_ =	shalt  }
0x6e: {  	_ =	shalt  }
0x6f: {  	_ =	shalt  }
0x70: {  	_ =	shalt  }
0x71: {  	_ =	shalt  }
0x72: {  	_ =	shalt  }
0x73: {  	_ =	shalt  }
0x74: {  	_ =	shalt  }
0x75: {  	_ =	shalt  }
0x76: {  	_ =	shalt  }
0x77: {  	_ =	shalt  }
0x78: {  	_ =	shalt  }
0x79: {  	_ =	shalt  }
0x7a: {  	_ =	shalt  }
0x7b: {  	_ =	shalt  }
0x7c: {  	_ =	shalt  }
0x7d: {  	_ =	shalt  }
0x7e: {  	_ =	shalt  }
0x7f: {  	_ =	shalt  }
0x80: {  	_ =	shalt  }
0x81: {  	_ =	shalt  }
0x82: {  	_ =	shalt  }
0x83: {  	_ =	shalt  }
0x84: {  	_ =	shalt  }
0x85: {  	_ =	shalt  }
0x86: {  	_ =	shalt  }
0x87: {  	_ =	shalt  }
.Lfunc_end0:
.L_simem_size_0:
called_computation_lowered:
.L_overlay_start_0:
0x88: {  	s2 =	sld [smem:$0x3FD9]  }
0x89: {  	s3 =	sld [smem:$0x3FFE];
	_ =	sdelay $0x1  }
0x8a: {  	s1 =	srdreg.scid  }
0x8b: {  	s0 =	sand.u32 $0x1, s1  }
0x8c: {  	s17 =	sshll.u32 s0, $0xA;
	s2 =	sadd.s32 s3, s2  }
0x8d: {  	s2 =	sadd.s32 s2, s17  }
0x8e: {  	[smem:$0x3FC6] =	sst s2  }
0x8f: {  	_ = 	snop  }
0x90: {  	s2 =	sld [smem:$0x3FC8]  }
0x91: {  	s18 =	sld [smem:$0x3FD0];
	(tm) =	ssettm $0x1  }
0x92: {  	s4 =	sld [smem:$0x3FFB];
	_ =	sdelay $0x3  }
0x93: {  	_ =	strace s4  }
0x94: {  	s4 =	sld [smem:$0x3FFC];
	_ =	sdelay $0x3  }
0x95: {  	_ =	strace s4  }
0x96: {  	s4 =	sld [smem:$0x3FFD];
	_ =	sdelay $0x3  }
0x97: {  	_ =	strace s4  }
0x98: {  	_ =	strace $0x8FFFFFFF  }
0x99: {  	s19 =	sld [smem:$0x3FDB];
	_ =	sdelay $0x1  }
0x9a: {  	s5 =	simm.s32 $_scs_section_size  }
0x9b: {  	s6 =	simm.s32 $_size__tile_overlayer_lowered;
	s7 =	simm.s32 $_tile_overlayer_lowered  }
0x9c: {  	s22 =	simm.s32 $0x1BFF;
	s21 =	sshll.u32 s7, $0x1;
	s4 =	sadd.s32 s5, s19  }
0x9d: {  	s8 =	simm.s32 $0x0;
	s20 =	sshll.u32 s6, $0x1;
	s6 =	sadd.s32 s21, s4  }
0x9e: {  	[timem:s8], [sflag:s22] =	dma.local [hbm:s6], s20  }
0x9f: {  	_ =	swait.ge [sflag:s22], s20  }
0xa0: {  	s5 =	ssub.s32 $0x0, s20;
	[sflag:s22] =	ssyncset.done $0x0  }
0xa1: {  	[sflag:s22] =	ssyncadd.s32 s5;
	_ =	sdelay $0x1  }
0xa2: {  	s23 =	simm.s32 $0x1B8B  }
0xa3: {  	_ =	swait.ge [sflag:s23], $0x1  }
0xa4: {  	[sflag:s23] =	ssyncset.done $0x0  }
0xa5: {  	s25 =	simm.s32 $0x1B8E;
	s24 =	sld [smem:$0x3FFE];
	[sflag:s23] =	ssyncadd.s32 $0xFFFFFFFF  }
0xa6: {  	s26 =	simm.s32 $execute0_lowered;
	[smem:$0x3FD2] =	sst s25  }
0xa7: {  	s6 =	sshll.u32 s26, $0x1;
	_ =	strace $0x80000046;
	[dreg:$0x1] =	wrdreg $0xFFFFFFFF  }
0xa8: {  	s28 =	simm.s32 $_size_execute0_lowered;
	s4 =	sadd.s32 s4, s6;
	[dreg:$0x0] =	wrdreg $0x0  }
0xa9: {  	s6 =	sshll.u32 s28, $0x1;
	[dreg:$0x2] =	wrdreg s4  }
0xaa: {  	[dreg:$0x3] =	wrdreg s6  }
0xab: {  	[dreg:$0x4] =	wrdreg $0xC0  }
0xac: {  	_ =	task [dreg:s8], $0x5FFFF  }
0xad: {  	[dreg:$0x1] =	wrdreg $0xFFFFFFFF  }
0xae: {  	[dreg:$0x0] =	wrdreg $0x60  }
0xaf: {  	[dreg:$0x2] =	wrdreg s24  }
0xb0: {  	[dreg:$0x3] =	wrdreg s2  }
0xb1: {  	[dreg:$0x4] =	wrdreg s18  }
0xb2: {  	[dreg:$0x5] =	wrdreg $0x9  }
0xb3: {  	_ =	task.clear_ibuf [dreg:s8], $0x6FFFF;
	_ =	strace $0x90000046  }
0xb4: {  	s29 =	simm.s32 $0x9;
	_ =	strace $0x80000048  }
0xb5: {  	_ =	swait.ge [sflag:s29], $0x1  }
0xb6: {  	[sflag:s29] =	ssyncadd.s32 $0xFFFFFFFF  }
0xb7: {  	_ =	strace $0x90000048  }
0xb8: {  	_ =	sfence  }
0xb9: {  	s30 =	sld [smem:$0x0];
	_ =	sdelay $0x2  }
0xba: {  	s31 =	sshll.u32 s1, $0xD;
	s1 =	sshrl.u32 s1, $0x2  }
0xbb: {  	s3 =	sand.u32 $0x4000, s31;
	s1 =	sadd.s32 s1, s30  }
0xbc: {  	s0 =	sor.u32 s3, s0;
	s1 =	sshll.u32 s1, $0x11  }
0xbd: {  	s0 =	sor.u32 s1, s0  }
0xbe: {  	s0 =	sadd.s32 $0x8F2B, s0  }
0xbf: {  	[sflag:s0] =	ssyncadd.remote.s32 $0x1  }
0xc0: {  	_ =	sfence.sel $0xFFFF  }
0xc1: {  	[dreg:$0x0] =	wrdreg $0xFFFFFFFF;
	(pc) =	sbr.abs _section_cstart, $3  }
0xc2: {  	[dreg:$0x1] =	wrdreg $0xFFFFFFFF  }
0xc3: {  	_ =	task.clear_ibuf [dreg:s8], $0x2FFFF;
	_ =	strace $0x9FFFFFFF  }
0xc4: {  	(tm) =	ssettm $0x7FFFFFFF  }
0xc5: {  	_ =	shalt  }
tec
execute0_lowered:
.L_overlay_start_1:
0x0: {  	(tag) =	ssettag $0x1  }
0x1: {  	s4 =	rddreg [dreg:$0x0]  }
0x2: {  	s1 =	srdreg.scid;
	s2 =	rddreg [dreg:$0x1]  }
0x3: {  	s0 =	stileid.u32;
	s8 =	rddreg [dreg:$0x2]  }
0x4: {  	s3 =	simm.s32 $0x0;
	s13 =	simm.s32 $0x80;
	s14 =	simm.s32 $0x5C00  }
0x5: {  	s15 =	simm.s32 $0x9C00;
	s16 =	simm.s32 $0x100;
	s17 =	simm.s32 $0xDC00  }
0x6: {  	s18 =	simm.s32 $0x1;
	s19 =	simm.s32 $0x11C00;
	s20 =	simm.s32 $0x2  }
0x7: {  	s21 =	simm.s32 $0x15C00;
	s22 =	simm.s32 $0x3;
	s23 =	simm.s32 $0x4  }
0x8: {  	s24 =	simm.s32 $0x5;
	s25 =	simm.s32 $0x5900;
	s26 =	simm.s32 $0x5980  }
0x9: {  	s6 =	sand.u32 $0x1, s1;
	s29 =	sshll.u32 s0, $0x1;
	s11 =	smul.u32 $0xB4000, s0  }
0xa: {  	s28 =	simm.s32 $0x0;
	s5 =	sor.u32 s6, s29;
	s12 =	smul.u32 $0x5A000, s6  }
0xb: {  	[smem:$0x7FF] =	sst s3;
	s9 =	ssub.s32 $0x2, s6;
	s7 =	smul.u32 $0xB80, s5  }
0xc: {  	s5 =	smul.u32 $0x2D0000, s5;
	s30 =	sshrl.u32 s9, $0x1;
	s11 =	sadd.s32 s11, s8  }
0xd: {  	_ =	strace $0x80000047;
	s10 =	ssub.s32 s9, s30;
	s11 =	sadd.s32 s12, s11  }
0xe: {  	s12 =	simm.s32 $0x6;
	s4 =	sadd.s32 s7, s4;
	s5 =	sshrl.u32 s5, $0x3  }
0xf: {  	s10 =	smax.u32 s10, $0x1;
	s11 =	sadd.s32 $0x1000, s11;
	s31 =	sadd.s32 s8, s5  }
0x10: {  	s4 =	sadd.s32 $0x400, s4;
	s5 =	sadd.s32 $0x57800, s31;
	s6 =	sadd.s32 $0x58000, s31  }
0x11: {  	s7 =	sadd.s32 $0x58800, s31;
	s8 =	sadd.s32 $0x59000, s31;
	s9 =	sadd.s32 $0x59800, s31  }
.LBB2_1:
0x12: {  	[tilespmem:s3], [sflag:$0x6] =	stream.linear.gather [hbm4b:s4+s3], $0x5A00, $0x38;
	[tilespmem:$0x19C00] =	vst v63  }
0x13: {  	_ =	swait.ge [sflag:s12], $0x5A00  }
0x14: {  	[sflag:s12] =	ssyncset.done $0x0  }
0x15: {  	[sflag:s12] =	ssyncadd.s32 $0xFFFFA600  }
0x16: {  	[tilespmem:s14], [sflag:$0x1] =	stream.indirect.gather [hbm4b:s2+s13], $0x80, s3, s13, $0xb8;
	[tilespmem:$0x19C00] =	vst v63  }
0x17: {  	_ = 	snop  }
0x18: {  	[tilespmem:s15], [sflag:$0x2] =	stream.indirect.gather [hbm4b:s2+s13], $0x80, s13, s13, $0xb8;
	[tilespmem:$0x19C00] =	vst v63  }
0x19: {  	_ = 	snop  }
0x1a: {  	[tilespmem:s17], [sflag:$0x3] =	stream.indirect.gather [hbm4b:s2+s13], $0x80, s16, s13, $0xb8;
	[tilespmem:$0x19C00] =	vst v63  }
0x1b: {  	_ =	swait.ge [sflag:s18], $0x4000  }
0x1c: {  	[sflag:s18] =	ssyncset.done $0x0  }
0x1d: {  	s29 =	simm.s32 $0x180;
	[sflag:s18] =	ssyncadd.s32 $0xFFFFC000  }
0x1e: {  	[tilespmem:s19], [sflag:$0x4] =	stream.indirect.gather [hbm4b:s2+s13], $0x80, s29, s13, $0xb8;
	[tilespmem:$0x19C00] =	vst v63  }
0x1f: {  	s29 =	sadd.s32 $0xFFFFF000, s11  }
0x20: {  	[hbm4b:s29+s3] =	stream.linear.scatter [tilespmem:s14], [sflag:$0x6], $0x4000, $0x38;
	[tilespmem:$0x19C00] =	vst v63  }
0x21: {  	_ =	swait.ge [sflag:s12], $0x4000  }
0x22: {  	[sflag:s12] =	ssyncset.done $0x0  }
0x23: {  	[sflag:s12] =	ssyncadd.s32 $0xFFFFC000  }
0x24: {  	_ =	swait.ge [sflag:s20], $0x4000  }
0x25: {  	[sflag:s20] =	ssyncset.done $0x0  }
0x26: {  	s29 =	simm.s32 $0x200;
	[sflag:s20] =	ssyncadd.s32 $0xFFFFC000  }
0x27: {  	[tilespmem:s21], [sflag:$0x5] =	stream.indirect.gather [hbm4b:s2+s13], $0x80, s29, s13, $0xb8;
	[tilespmem:$0x19C00] =	vst v63  }
0x28: {  	s29 =	sadd.s32 $0xFFFFF800, s11  }
0x29: {  	[hbm4b:s29+s3] =	stream.linear.scatter [tilespmem:s15], [sflag:$0x6], $0x4000, $0x38;
	[tilespmem:$0x19C00] =	vst v63  }
0x2a: {  	_ =	swait.ge [sflag:s12], $0x4000  }
0x2b: {  	[sflag:s12] =	ssyncset.done $0x0  }
0x2c: {  	[sflag:s12] =	ssyncadd.s32 $0xFFFFC000  }
0x2d: {  	_ =	swait.ge [sflag:s22], $0x4000  }
0x2e: {  	[sflag:s22] =	ssyncset.done $0x0  }
0x2f: {  	s29 =	simm.s32 $0x280;
	[sflag:s22] =	ssyncadd.s32 $0xFFFFC000  }
0x30: {  	[tilespmem:s14], [sflag:$0x1] =	stream.indirect.gather [hbm4b:s2+s13], $0x80, s29, s13, $0xb8;
	[tilespmem:$0x19C00] =	vst v63  }
0x31: {  	_ = 	snop  }
0x32: {  	[hbm4b:s11+s3] =	stream.linear.scatter [tilespmem:s17], [sflag:$0x6], $0x4000, $0x38;
	[tilespmem:$0x19C00] =	vst v63  }
0x33: {  	_ =	swait.ge [sflag:s12], $0x4000  }
0x34: {  	[sflag:s12] =	ssyncset.done $0x0  }
0x35: {  	[sflag:s12] =	ssyncadd.s32 $0xFFFFC000  }
0x36: {  	_ =	swait.ge [sflag:s23], $0x4000  }
0x37: {  	[sflag:s23] =	ssyncset.done $0x0  }
0x38: {  	s29 =	simm.s32 $0x300;
	[sflag:s23] =	ssyncadd.s32 $0xFFFFC000  }
0x39: {  	[tilespmem:s15], [sflag:$0x2] =	stream.indirect.gather [hbm4b:s2+s13], $0x80, s29, s13, $0xb8;
	[tilespmem:$0x19C00] =	vst v63  }
0x3a: {  	s29 =	sadd.s32 $0x800, s11  }
0x3b: {  	[hbm4b:s29+s3] =	stream.linear.scatter [tilespmem:s19], [sflag:$0x6], $0x4000, $0x38;
	[tilespmem:$0x19C00] =	vst v63  }
0x3c: {  	_ =	swait.ge [sflag:s12], $0x4000  }
0x3d: {  	[sflag:s12] =	ssyncset.done $0x0  }
0x3e: {  	[sflag:s12] =	ssyncadd.s32 $0xFFFFC000  }
0x3f: {  	_ =	swait.ge [sflag:s24], $0x4000  }
0x40: {  	[sflag:s24] =	ssyncset.done $0x0  }
0x41: {  	s29 =	simm.s32 $0x380;
	[sflag:s24] =	ssyncadd.s32 $0xFFFFC000  }
0x42: {  	[tilespmem:s17], [sflag:$0x3] =	stream.indirect.gather [hbm4b:s2+s13], $0x80, s29, s13, $0xb8;
	[tilespmem:$0x19C00] =	vst v63  }
0x43: {  	s29 =	sadd.s32 $0x1000, s11  }
0x44: {  	[hbm4b:s29+s3] =	stream.linear.scatter [tilespmem:s21], [sflag:$0x6], $0x4000, $0x38;
	[tilespmem:$0x19C00] =	vst v63  }
0x45: {  	_ =	swait.ge [sflag:s12], $0x4000  }
0x46: {  	s30 =	smov.u32 s11;
	s29 =	simm.s32 $0xA00;
	[sflag:s12] =	ssyncset.done $0x0  }
.LBB2_2:
0x47: {  	p0 =	sne.s32 s29, $0x15400;
	[sflag:s12] =	ssyncadd.s32 $0xFFFFC000;
	s30 =	sadd.s32 $0x2800, s30  }
0x48: {  	s31 =	smov.u32 s29;
	s29 =	sadd.s32 $0xA00, s29  }
0x49: {  	_ =	swait.ge [sflag:s18], $0x4000  }
0x4a: {  	s31 =	sshra.s32 s31, $0x2;
	[sflag:s18] =	ssyncset.done $0x0  }
0x4b: {  	s1 =	sadd.s32 $0x180, s31;
	[sflag:s18] =	ssyncadd.s32 $0xFFFFC000  }
0x4c: {  	[tilespmem:s19], [sflag:$0x4] =	stream.indirect.gather [hbm4b:s2+s13], $0x80, s1, s13, $0xb8;
	[tilespmem:$0x19C00] =	vst v63  }
0x4d: {  	s1 =	sadd.s32 $0xFFFFF000, s30  }
0x4e: {  	[hbm4b:s1+s3] =	stream.linear.scatter [tilespmem:s14], [sflag:$0x6], $0x4000, $0x38;
	[tilespmem:$0x19C00] =	vst v63  }
0x4f: {  	_ =	swait.ge [sflag:s12], $0x4000  }
0x50: {  	[sflag:s12] =	ssyncset.done $0x0  }
0x51: {  	[sflag:s12] =	ssyncadd.s32 $0xFFFFC000  }
0x52: {  	_ =	swait.ge [sflag:s20], $0x4000  }
0x53: {  	[sflag:s20] =	ssyncset.done $0x0  }
0x54: {  	s1 =	sadd.s32 $0x200, s31;
	[sflag:s20] =	ssyncadd.s32 $0xFFFFC000  }
0x55: {  	[tilespmem:s21], [sflag:$0x5] =	stream.indirect.gather [hbm4b:s2+s13], $0x80, s1, s13, $0xb8;
	[tilespmem:$0x19C00] =	vst v63  }
0x56: {  	s1 =	sadd.s32 $0xFFFFF800, s30  }
0x57: {  	[hbm4b:s1+s3] =	stream.linear.scatter [tilespmem:s15], [sflag:$0x6], $0x4000, $0x38;
	[tilespmem:$0x19C00] =	vst v63  }
0x58: {  	_ =	swait.ge [sflag:s12], $0x4000  }
0x59: {  	[sflag:s12] =	ssyncset.done $0x0  }
0x5a: {  	[sflag:s12] =	ssyncadd.s32 $0xFFFFC000  }
0x5b: {  	_ =	swait.ge [sflag:s22], $0x4000  }
0x5c: {  	[sflag:s22] =	ssyncset.done $0x0  }
0x5d: {  	s1 =	sadd.s32 $0x280, s31;
	[sflag:s22] =	ssyncadd.s32 $0xFFFFC000  }
0x5e: {  	[tilespmem:s14], [sflag:$0x1] =	stream.indirect.gather [hbm4b:s2+s13], $0x80, s1, s13, $0xb8;
	[tilespmem:$0x19C00] =	vst v63  }
0x5f: {  	_ = 	snop  }
0x60: {  	[hbm4b:s30+s3] =	stream.linear.scatter [tilespmem:s17], [sflag:$0x6], $0x4000, $0x38;
	[tilespmem:$0x19C00] =	vst v63  }
0x61: {  	_ =	swait.ge [sflag:s12], $0x4000  }
0x62: {  	[sflag:s12] =	ssyncset.done $0x0  }
0x63: {  	[sflag:s12] =	ssyncadd.s32 $0xFFFFC000  }
0x64: {  	_ =	swait.ge [sflag:s23], $0x4000  }
0x65: {  	[sflag:s23] =	ssyncset.done $0x0  }
0x66: {  	s1 =	sadd.s32 $0x300, s31;
	[sflag:s23] =	ssyncadd.s32 $0xFFFFC000  }
0x67: {  	[tilespmem:s15], [sflag:$0x2] =	stream.indirect.gather [hbm4b:s2+s13], $0x80, s1, s13, $0xb8;
	[tilespmem:$0x19C00] =	vst v63  }
0x68: {  	s1 =	sadd.s32 $0x800, s30  }
0x69: {  	[hbm4b:s1+s3] =	stream.linear.scatter [tilespmem:s19], [sflag:$0x6], $0x4000, $0x38;
	[tilespmem:$0x19C00] =	vst v63  }
0x6a: {  	_ =	swait.ge [sflag:s12], $0x4000  }
0x6b: {  	[sflag:s12] =	ssyncset.done $0x0  }
0x6c: {  	[sflag:s12] =	ssyncadd.s32 $0xFFFFC000  }
0x6d: {  	_ =	swait.ge [sflag:s24], $0x4000  }
0x6e: {  	[sflag:s24] =	ssyncset.done $0x0  }
0x6f: {  	s1 =	sadd.s32 $0x380, s31;
	[sflag:s24] =	ssyncadd.s32 $0xFFFFC000  }
0x70: {  	[tilespmem:s17], [sflag:$0x3] =	stream.indirect.gather [hbm4b:s2+s13], $0x80, s1, s13, $0xb8;
	[tilespmem:$0x19C00] =	vst v63  }
.Ltmp0:
0x71: {  	_ = 	snop;
	(pc) =	sbr.rel @p0 .LBB2_2-.Ltmp0, $4  }
0x72: {  	s1 =	sadd.s32 $0x1000, s30  }
0x73: {  	[hbm4b:s1+s3] =	stream.linear.scatter [tilespmem:s21], [sflag:$0x6], $0x4000, $0x38;
	[tilespmem:$0x19C00] =	vst v63  }
0x74: {  	_ =	swait.ge [sflag:s12], $0x4000  }
0x75: {  	[sflag:s12] =	ssyncset.done $0x0  }
0x76: {  	[sflag:s12] =	ssyncadd.s32 $0xFFFFC000  }
0x77: {  	_ =	swait.ge [sflag:s18], $0x4000  }
0x78: {  	[sflag:s18] =	ssyncset.done $0x0  }
0x79: {  	[sflag:s18] =	ssyncadd.s32 $0xFFFFC000  }
0x7a: {  	[tilespmem:s19], [sflag:$0x4] =	stream.indirect.gather [hbm4b:s2+s13], $0x80, s25, s13, $0xb8;
	[tilespmem:$0x19C00] =	vst v63  }
0x7b: {  	_ = 	snop  }
0x7c: {  	[hbm4b:s5+s3] =	stream.linear.scatter [tilespmem:s14], [sflag:$0x6], $0x4000, $0x38;
	[tilespmem:$0x19C00] =	vst v63  }
0x7d: {  	_ =	swait.ge [sflag:s12], $0x4000  }
0x7e: {  	[sflag:s12] =	ssyncset.done $0x0  }
0x7f: {  	[sflag:s12] =	ssyncadd.s32 $0xFFFFC000  }
0x80: {  	_ =	swait.ge [sflag:s20], $0x4000  }
0x81: {  	[sflag:s20] =	ssyncset.done $0x0  }
0x82: {  	[sflag:s20] =	ssyncadd.s32 $0xFFFFC000  }
0x83: {  	[tilespmem:s21], [sflag:$0x5] =	stream.indirect.gather [hbm4b:s2+s13], $0x80, s26, s13, $0xb8;
	[tilespmem:$0x19C00] =	vst v63  }
0x84: {  	_ = 	snop  }
0x85: {  	[hbm4b:s6+s3] =	stream.linear.scatter [tilespmem:s15], [sflag:$0x6], $0x4000, $0x38;
	[tilespmem:$0x19C00] =	vst v63  }
0x86: {  	_ =	swait.ge [sflag:s12], $0x4000  }
0x87: {  	[sflag:s12] =	ssyncset.done $0x0  }
0x88: {  	[sflag:s12] =	ssyncadd.s32 $0xFFFFC000  }
0x89: {  	_ =	swait.ge [sflag:s22], $0x4000  }
0x8a: {  	[sflag:s22] =	ssyncset.done $0x0  }
0x8b: {  	[sflag:s22] =	ssyncadd.s32 $0xFFFFC000  }
0x8c: {  	[hbm4b:s7+s3] =	stream.linear.scatter [tilespmem:s17], [sflag:$0x6], $0x4000, $0x38;
	[tilespmem:$0x19C00] =	vst v63  }
0x8d: {  	_ =	swait.ge [sflag:s12], $0x4000  }
0x8e: {  	[sflag:s12] =	ssyncset.done $0x0  }
0x8f: {  	[sflag:s12] =	ssyncadd.s32 $0xFFFFC000  }
0x90: {  	_ =	swait.ge [sflag:s23], $0x4000  }
0x91: {  	[sflag:s23] =	ssyncset.done $0x0  }
0x92: {  	[sflag:s23] =	ssyncadd.s32 $0xFFFFC000  }
0x93: {  	[hbm4b:s8+s3] =	stream.linear.scatter [tilespmem:s19], [sflag:$0x6], $0x4000, $0x38;
	[tilespmem:$0x19C00] =	vst v63  }
0x94: {  	_ =	swait.ge [sflag:s12], $0x4000  }
0x95: {  	[sflag:s12] =	ssyncset.done $0x0  }
0x96: {  	[sflag:s12] =	ssyncadd.s32 $0xFFFFC000  }
0x97: {  	s28 =	sadd.s32 $0x1, s28;
	_ =	swait.ge [sflag:s24], $0x4000  }
0x98: {  	p0 =	sne.s32 s28, s10;
	[sflag:s24] =	ssyncset.done $0x0  }
.Ltmp1:
0x99: {  	[sflag:s24] =	ssyncadd.s32 $0xFFFFC000;
	(pc) =	sbr.rel @p0 .LBB2_1-.Ltmp1, $4  }
0x9a: {  	[hbm4b:s9+s3] =	stream.linear.scatter [tilespmem:s21], [sflag:$0x6], $0x4000, $0x38;
	[tilespmem:$0x19C00] =	vst v63  }
0x9b: {  	_ =	swait.ge [sflag:s12], $0x4000  }
0x9c: {  	[sflag:s12] =	ssyncset.done $0x0  }
0x9d: {  	[sflag:s12] =	ssyncadd.s32 $0xFFFFC000  }
0x9e: {  	_ =	sfence.sel $0x180000  }
0x9f: {  	[bflag:$0x0] =	sbarrier.arrive $0xFFFF  }
0xa0: {  	_ =	strace $0x90000047  }
0xa1: {  	[bflag:$0x2] =	sbarrier.arrive $0xFFFF  }
0xa2: {  	p0 =	sne.s32 s0, $0x0;
	s0 =	rddreg [dreg:$0x3]  }
0xa3: {  	s0 =	sadd.s32 @!p0 $0x100000, s0  }
0xa4: {  	[sflag:s0] =	ssyncadd.tile.s32 @!p0 $0x1;
	_ =	shalt  }
.Lfunc_end2:
_tile_overlayer_lowered:
.L_overlay_start_2:
0xa5: {  	(tag) =	ssettag $0x2  }
0xa6: {  	s0 =	rddreg [dreg:$0x0];
	s2 =	stileid.u32  }
0xa7: {  	s1 =	rddreg [dreg:$0x1];
	p0 =	sne.s32 s2, $0x0  }
0xa8: {  	s3 =	rddreg [dreg:$0x2];
	[bflag:$0x3] =	sbarrier.arrive $0xFFFF;
	s2 =	simm.s32 @!p0 $0x1C06  }
0xa9: {  	[timem:s3], [sflag:s2] =	dma.local @!p0 [hbm:s0], s1  }
0xaa: {  	s0 =	simm.s32 @!p0 $0x6  }
0xab: {  	_ =	swait.ge @!p0 [sflag:s0], s1  }
0xac: {  	s1 =	ssub.s32 @!p0 $0x0, s1;
	[sflag:s0] =	ssyncset.done @!p0 $0x0  }
0xad: {  	[sflag:s0] =	ssyncadd.s32 @!p0 s1  }
0xae: {  	[bflag:$0x3] =	sbarrier.arrive $0xFFFF  }
0xaf: {  	_ =	shalt  }

</sc_bundles>
